<compile_context>
chip_gen: v7x
topology: tpu7x:2x2x1
jax: 0.10.2.dev20260603
libtpu: 0.0.44.dev20260713+nightly
codegen_flags: <defaults>
</compile_context>

<pallas_src>
import functools

import jax
import jax.numpy as jnp
from jax import lax
from jax.experimental import pallas as pl
from jax.experimental.pallas import tpu as pltpu
from jax.experimental.pallas import tpu_sc as plsc

D = 128
HD = D // 2
LANES = 16
NC = 2
NS = 16
NW = NC * NS
B = 128
CCOLS = 16
CROWS = 10240


def _acc_body(nbs, n8s, rags, rows_per_tile, xl_hbm, xr_hbm, eidx_hbm,
              accp_hbm, src_v, dst_v, rowbuf, rowbuf1, acc_sh,
              gsem, gsem1):
    core = lax.axis_index("c")
    sub = lax.axis_index("s")

    s0 = sub * nbs + 8 * jnp.minimum(sub, n8s)

    pltpu.sync_copy(eidx_hbm.at[0, pl.ds(s0, nbs)], src_v.at[pl.ds(0, nbs)])
    pltpu.sync_copy(eidx_hbm.at[1, pl.ds(s0, nbs)], dst_v.at[pl.ds(0, nbs)])

    @pl.when(sub < n8s)
    def _():
        pltpu.sync_copy(eidx_hbm.at[0, pl.ds(s0 + nbs, 8)],
                        src_v.at[pl.ds(nbs, 8)])
        pltpu.sync_copy(eidx_hbm.at[1, pl.ds(s0 + nbs, 8)],
                        dst_v.at[pl.ds(nbs, 8)])

    if rags:
        @pl.when(sub == NS - 1)
        def _():
            pltpu.sync_copy(eidx_hbm.at[0, pl.ds(s0 + nbs, rags)],
                            src_v.at[pl.ds(nbs, rags)])
            pltpu.sync_copy(eidx_hbm.at[1, pl.ds(s0 + nbs, rags)],
                            dst_v.at[pl.ds(nbs, rags)])

    nb_w = (nbs + 8 * (sub < n8s).astype(jnp.int32)
            + rags * (sub == NS - 1).astype(jnp.int32))

    zeros = jnp.zeros((LANES,), jnp.float32)

    def _zrow(i, carry):
        for j in range(HD // LANES):
            rowbuf[i, pl.ds(j * LANES, LANES)] = zeros
        return carry
    lax.fori_loop(0, B, _zrow, 0)

    base = sub * rows_per_tile
    nfull = rows_per_tile // B
    rem = rows_per_tile - nfull * B
    for r in range(nfull):
        pltpu.sync_copy(rowbuf, acc_sh.at[pl.ds(base + r * B, B)])
    if rem:
        pltpu.sync_copy(rowbuf.at[pl.ds(0, rem)],
                        acc_sh.at[pl.ds(base + nfull * B, rem)])
    plsc.subcore_barrier()

    def _gath(buf, b, sem):
        @pl.when(core == 0)
        def _():
            pltpu.async_copy(xl_hbm.at[src_v.at[b]], buf, sem)

        @pl.when(core == 1)
        def _():
            pltpu.async_copy(xr_hbm.at[src_v.at[b]], buf, sem)

    def _drain(buf, sem):
        pltpu.make_async_copy(xl_hbm.at[pl.ds(0, B)], buf, sem).wait()

    _gath(rowbuf, 0, gsem)

    def _batch2(k, carry):
        b0 = 2 * k
        _gath(rowbuf1, b0 + 1, gsem1)
        _drain(rowbuf, gsem)
        pltpu.sync_copy(rowbuf, acc_sh.at[dst_v.at[b0]], add=True)

        @pl.when(b0 + 2 < nb_w)
        def _():
            _gath(rowbuf, b0 + 2, gsem)
        _drain(rowbuf1, gsem1)
        pltpu.sync_copy(rowbuf1, acc_sh.at[dst_v.at[b0 + 1]], add=True)
        return carry
    lax.fori_loop(0, nb_w // 2, _batch2, 0)
    plsc.subcore_barrier()

    pltpu.sync_copy(acc_sh.at[pl.ds(base, rows_per_tile)],
                    accp_hbm.at[core, pl.ds(base, rows_per_tile)])


def _cnt_body(nbc, n8c, ragc, tok_hbm, c1_hbm, c2_hbm, cp_hbm, c1_v, c2_v,
              ones_v, zeros_v, c_sh):
    del tok_hbm
    core = lax.axis_index("c")
    sub = lax.axis_index("s")
    wid = sub * NC + core

    start = wid * nbc + 8 * jnp.minimum(wid, n8c)
    pltpu.sync_copy(c1_hbm.at[pl.ds(start, nbc)], c1_v.at[pl.ds(0, nbc)])
    pltpu.sync_copy(c2_hbm.at[pl.ds(start, nbc)], c2_v.at[pl.ds(0, nbc)])

    @pl.when(wid < n8c)
    def _():
        pltpu.sync_copy(c1_hbm.at[pl.ds(start + nbc, 8)],
                        c1_v.at[pl.ds(nbc, 8)])
        pltpu.sync_copy(c2_hbm.at[pl.ds(start + nbc, 8)],
                        c2_v.at[pl.ds(nbc, 8)])

    if ragc:
        @pl.when(wid == NW - 1)
        def _():
            pltpu.sync_copy(c1_hbm.at[pl.ds(start + nbc, ragc)],
                            c1_v.at[pl.ds(nbc, ragc)])
            pltpu.sync_copy(c2_hbm.at[pl.ds(start + nbc, ragc)],
                            c2_v.at[pl.ds(nbc, ragc)])

    nb_w = (nbc + 8 * (wid < n8c).astype(jnp.int32)
            + ragc * (wid == NW - 1).astype(jnp.int32))

    zeros = jnp.zeros((LANES,), jnp.float32)
    ones = jnp.ones((LANES,), jnp.float32)
    for j in range(B // LANES):
        ones_v[pl.ds(j * LANES, LANES)] = ones

    zlen = B * CCOLS

    def _z(i, carry):
        zeros_v[pl.ds(i * LANES, LANES)] = zeros
        return carry
    lax.fori_loop(0, zlen // LANES, _z, 0)

    cbase = sub * (CROWS // NS) * CCOLS
    for r in range((CROWS // NS) * CCOLS // zlen):
        pltpu.sync_copy(zeros_v, c_sh.at[pl.ds(cbase + r * zlen, zlen)])
    plsc.subcore_barrier()

    def _batch(b, carry):
        pltpu.sync_copy(ones_v, c_sh.at[c1_v.at[b]], add=True)
        pltpu.sync_copy(ones_v, c_sh.at[c2_v.at[b]], add=True)
        return carry
    lax.fori_loop(0, nb_w, _batch, 0)
    plsc.subcore_barrier()

    clen = (CROWS // NS) * CCOLS
    pltpu.sync_copy(c_sh.at[pl.ds(cbase, clen)],
                    cp_hbm.at[core, pl.ds(cbase, clen)])


@functools.partial(jax.jit, static_argnames=("n_nodes",))
def _sc_scatter(xl, xr, eidx3, c13, c23, *, n_nodes):
    nb_t = eidx3.shape[1]
    acc_rows = -(-n_nodes // (NS * 8)) * (NS * 8)
    rows_per_tile = acc_rows // NS
    mesh = plsc.VectorSubcoreMesh(core_axis_name="c", subcore_axis_name="s",
                                  num_cores=NC, num_subcores=NS)

    nbs = (nb_t // NS) // 8 * 8
    n8s, rags = divmod(nb_t - nbs * NS, 8)
    assert 0 <= n8s < NS - 1
    assert nbs % 2 == 0 and rags % 2 == 0
    nbmax = nbs + max(8, rags)

    acc = pl.kernel(
        functools.partial(_acc_body, nbs, n8s, rags, rows_per_tile),
        out_type=jax.ShapeDtypeStruct((NC, acc_rows, HD), jnp.float32),
        mesh=mesh,
        scratch_types=(
            pltpu.VMEM((nbmax, B), jnp.int32),
            pltpu.VMEM((nbmax, B), jnp.int32),
            pltpu.VMEM((B, HD), jnp.float32),
            pltpu.VMEM((B, HD), jnp.float32),
            pltpu.VMEM_SHARED((acc_rows, HD), jnp.float32),
            pltpu.SemaphoreType.DMA,
            pltpu.SemaphoreType.DMA,
        ),
        compiler_params=pltpu.CompilerParams(use_tc_tiling_on_sc=False),
    )(xl, xr, eidx3)

    tok = acc

    nbc = (nb_t // NW) // 8 * 8
    n8c, ragc = divmod(nb_t - nbc * NW, 8)
    assert 0 <= n8c < NW - 1
    nbcmax = nbc + max(8, ragc)
    cp = pl.kernel(
        functools.partial(_cnt_body, nbc, n8c, ragc),
        out_type=jax.ShapeDtypeStruct((NC, CROWS * CCOLS), jnp.float32),
        mesh=mesh,
        scratch_types=(
            pltpu.VMEM((nbcmax, B), jnp.int32),
            pltpu.VMEM((nbcmax, B), jnp.int32),
            pltpu.VMEM((B,), jnp.float32),
            pltpu.VMEM((B * CCOLS,), jnp.float32),
            pltpu.VMEM_SHARED((CROWS * CCOLS,), jnp.float32),
        ),
    )(tok, c13, c23)
    return acc, cp


def _mlp_body(accp, cp, e, w1, b1, w2, b2, out_ref):
    acc = jnp.concatenate([accp[0], accp[1]], axis=1)
    cb = cp[0] + cp[1]
    aggr = acc + jnp.dot(cb, e[...], preferred_element_type=jnp.float32)
    h = jnp.maximum(
        jnp.dot(aggr, w1[...], preferred_element_type=jnp.float32) + b1[...],
        0.0)
    out_ref[...] = (
        jnp.dot(h, w2[...], preferred_element_type=jnp.float32) + b2[...])


@functools.partial(jax.jit, static_argnames=("n",))
def _tc_mlp(accp, cp, e, w1, b1, w2, b2, *, n):
    blk = 1000 if n % 1000 == 0 else n
    grid = n // blk
    return pl.pallas_call(
        _mlp_body,
        grid=(grid,),
        in_specs=[
            pl.BlockSpec((NC, blk, HD), lambda i: (0, i, 0)),
            pl.BlockSpec((NC, blk, CCOLS), lambda i: (0, i, 0)),
            pl.BlockSpec(e.shape, lambda i: (0, 0)),
            pl.BlockSpec(w1.shape, lambda i: (0, 0)),
            pl.BlockSpec(b1.shape, lambda i: (0,)),
            pl.BlockSpec(w2.shape, lambda i: (0, 0)),
            pl.BlockSpec(b2.shape, lambda i: (0,)),
        ],
        out_specs=pl.BlockSpec((blk, D), lambda i: (i, 0)),
        out_shape=jax.ShapeDtypeStruct((n, D), jnp.float32),
    )(accp, cp, e, w1, b1, w2, b2)


def kernel(x, edge_index, edge_attr, edge_embedding1, edge_embedding2,
           W1, b1, W2, b2):
    n_nodes, d = x.shape
    n_edges = edge_index.shape[1]
    assert d == D
    assert n_edges % B == 0 and n_nodes <= CROWS

    eidx3 = edge_index.reshape(2, n_edges // B, B)
    c1 = (edge_index[1] * CCOLS + edge_attr[:, 0]).reshape(n_edges // B, B)
    c2 = (edge_index[1] * CCOLS + 6 + edge_attr[:, 1]).reshape(n_edges // B, B)

    xl = x[:, :HD]
    xr = x[:, HD:]
    accp, cflat = _sc_scatter(xl, xr, eidx3, c1, c2, n_nodes=n_nodes)
    cp = cflat.reshape(NC, CROWS, CCOLS)

    epad = jnp.concatenate(
        [edge_embedding1, edge_embedding2,
         jnp.zeros((CCOLS - edge_embedding1.shape[0] - edge_embedding2.shape[0],
                    D), jnp.float32)], axis=0)
    return _tc_mlp(accp, cp, epad, W1, b1, W2, b2, n=n_nodes)

# --- scband reference (transcript-rebuilt; emitter-appended) ---
"""Pipeline reference for scband-token-mae-81664508166201 (READ-ONLY COPY).

The authoritative reference and input builder live on the scoring server;
editing this copy changes nothing except your own understanding.
"""

import jax, jax.numpy as jnp
import numpy as np

N_NODES = 10000
N_EDGES = 320000
EMB_DIM = 128
OUT_DIM = 128
NUM_BOND_TYPE = 6
NUM_BOND_DIRECTION = 3


def setup_inputs(seed: int = 0) -> dict:
    key = jax.random.key(seed)
    ks = jax.random.split(key, 9)
    x = jax.random.normal(ks[0], (N_NODES, EMB_DIM), dtype=jnp.float32)
    edge_index = jax.random.randint(ks[1], (2, N_EDGES), 0, N_NODES, dtype=jnp.int32)
    edge_attr = jax.random.randint(ks[2], (N_EDGES, 2), 0, 3, dtype=jnp.int32)
    # learned parameters (per init_kwargs: emb_dim=128, out_dim=128)
    sk = (1.0 / EMB_DIM) ** 0.5
    edge_embedding1 = jax.random.uniform(ks[3], (NUM_BOND_TYPE, EMB_DIM), minval=-sk, maxval=sk, dtype=jnp.float32)
    edge_embedding2 = jax.random.uniform(ks[4], (NUM_BOND_DIRECTION, EMB_DIM), minval=-sk, maxval=sk, dtype=jnp.float32)
    W1 = jax.random.normal(ks[5], (EMB_DIM, 2 * EMB_DIM), dtype=jnp.float32) * (1.0 / EMB_DIM) ** 0.5
    b1 = jnp.zeros((2 * EMB_DIM,), dtype=jnp.float32)
    W2 = jax.random.normal(ks[6], (2 * EMB_DIM, OUT_DIM), dtype=jnp.float32) * (1.0 / (2 * EMB_DIM)) ** 0.5
    b2 = jnp.zeros((OUT_DIM,), dtype=jnp.float32)
    return {"x": x, "edge_index": edge_index, "edge_attr": edge_attr,
            "edge_embedding1": edge_embedding1, "edge_embedding2": edge_embedding2,
            "W1": W1, "b1": b1, "W2": W2, "b2": b2}


def reference(x, edge_index, edge_attr, edge_embedding1, edge_embedding2, W1, b1, W2, b2):
    # GINConv forward: edge embeddings from bond type/direction lookups
    edge_embeddings = jnp.take(edge_embedding1, edge_attr[:, 0], axis=0) + \
                      jnp.take(edge_embedding2, edge_attr[:, 1], axis=0)
    # message: x_j + edge_attr  (x_j = source node features, gathered per edge)
    src, dst = edge_index[0], edge_index[1]
    messages = jnp.take(x, src, axis=0) + edge_embeddings
    # aggregate: scatter-add of messages to destination nodes ('add' aggr)
    aggr_out = jax.ops.segment_sum(messages, dst, num_segments=x.shape[0])
    # update: MLP = Linear(emb_dim, 2*emb_dim) -> ReLU -> Linear(2*emb_dim, out_dim)
    h = jnp.maximum(aggr_out @ W1 + b1, 0.0)
    out = h @ W2 + b2
    return out

if __name__ == "__main__":
    import jax
    _d = setup_inputs()
    print(jax.jit(kernel)(*tuple(_d.values())))

</pallas_src>

<mosaic_0001>
#map = affine_map<(d0, d1) -> (0, 0, 0)>
#map1 = affine_map<(d0, d1) -> (0, 0)>
module attributes {stable_mosaic.version = 14 : i64} {
  func.func @_cnt_body(%arg0: i32, %arg1: i32, %arg2: memref<2x10112x64xf32, #tpu.memory_space<hbm>>, %arg3: memref<2500x128xi32, #tpu.memory_space<hbm>>, %arg4: memref<2500x128xi32, #tpu.memory_space<hbm>>, %arg5: memref<2x163840xf32, #tpu.memory_space<hbm>>, %arg6: memref<80x128xi32, #tpu.memory_space<vmem>>, %arg7: memref<80x128xi32, #tpu.memory_space<vmem>>, %arg8: memref<128xf32, #tpu.memory_space<vmem>>, %arg9: memref<2048xf32, #tpu.memory_space<vmem>>, %arg10: memref<163840xf32, #tpu.memory_space<vmem_shared>>) attributes {dimension_semantics = [#tpu.dimension_semantics<core_parallel>, #tpu.dimension_semantics<subcore_parallel>], iteration_bounds = array<i64: 2, 16>, scalar_prefetch = 0 : i64, scratch_operands = 5 : i64, tpu.core_type = #tpu.core_type<sc_vector_subcore>, window_params = [{transform_indices = #map}, {transform_indices = #map1}, {transform_indices = #map1}, {transform_indices = #map1}]} {
    %mul3A = arith.constant 2 : i32
    %mul3A_0 = arith.muli %arg1, %mul3A : i32
    %add3A = arith.addi %mul3A_0, %arg0 : i32
    %mul3A_1 = arith.constant 72 : i32
    %mul3A_2 = arith.muli %add3A, %mul3A_1 : i32
    %min3A = arith.constant 24 : i32
    %min3A_3 = arith.minsi %add3A, %min3A : i32
    %mul3A_4 = arith.constant 8 : i32
    %mul3A_5 = arith.muli %mul3A_4, %min3A_3 : i32
    %add3A_6 = arith.addi %mul3A_2, %mul3A_5 : i32
    "tpu.region"() ({
      %run_scoped3A = tpu.sem_alloc : memref<!tpu.dma_semaphore, #tpu.memory_space<semaphore_mem>>
      %dma_start3A = arith.constant 0 : i32
      %dma_start3A_89 = arith.constant 0 : i32
      %dma_start3A_90 = tpu.memref_slice %arg6[%dma_start3A, %dma_start3A_89] : memref<80x128xi32, #tpu.memory_space<vmem>> -> memref<72x128xi32, #tpu.memory_space<vmem>>
      %dma_start3A_91 = arith.constant 0 : i32
      %dma_start3A_92 = tpu.memref_slice %arg3[%add3A_6, %dma_start3A_91] : memref<2500x128xi32, #tpu.memory_space<hbm>> -> memref<72x128xi32, #tpu.memory_space<hbm>>
      %dma_start3A_93 = arith.constant 0 : i32
      %dma_start3A_94 = arith.constant 0 : i32
      %dma_start3A_95 = tpu.memref_slice %arg6[%dma_start3A_93, %dma_start3A_94] : memref<80x128xi32, #tpu.memory_space<vmem>> -> memref<72x128xi32, #tpu.memory_space<vmem>>
      %dma_start3A_96 = arith.constant 0 : i32
      %dma_start3A_97 = tpu.memref_slice %arg3[%add3A_6, %dma_start3A_96] : memref<2500x128xi32, #tpu.memory_space<hbm>> -> memref<72x128xi32, #tpu.memory_space<hbm>>
      tpu.enqueue_dma source(%dma_start3A_97 : memref<72x128xi32, #tpu.memory_space<hbm>>) target(%dma_start3A_95 : memref<72x128xi32, #tpu.memory_space<vmem>>) target_semaphore(%run_scoped3A : memref<!tpu.dma_semaphore, #tpu.memory_space<semaphore_mem>>)
      %dma_wait3A = arith.constant 0 : i32
      %dma_wait3A_98 = arith.constant 0 : i32
      %dma_wait3A_99 = tpu.memref_slice %arg6[%dma_wait3A, %dma_wait3A_98] : memref<80x128xi32, #tpu.memory_space<vmem>> -> memref<72x128xi32, #tpu.memory_space<vmem>>
      %dma_wait3A_100 = arith.constant 0 : i32
      %dma_wait3A_101 = tpu.memref_slice %arg3[%add3A_6, %dma_wait3A_100] : memref<2500x128xi32, #tpu.memory_space<hbm>> -> memref<72x128xi32, #tpu.memory_space<hbm>>
      %dma_wait3A_102 = arith.constant 0 : i32
      %dma_wait3A_103 = arith.constant 0 : i32
      %dma_wait3A_104 = tpu.memref_slice %arg6[%dma_wait3A_102, %dma_wait3A_103] : memref<80x128xi32, #tpu.memory_space<vmem>> -> memref<72x128xi32, #tpu.memory_space<vmem>>
      %dma_wait3A_105 = arith.constant 0 : i32
      %dma_wait3A_106 = tpu.memref_slice %arg3[%add3A_6, %dma_wait3A_105] : memref<2500x128xi32, #tpu.memory_space<hbm>> -> memref<72x128xi32, #tpu.memory_space<hbm>>
      tpu.wait_dma2 semaphore(%run_scoped3A : memref<!tpu.dma_semaphore, #tpu.memory_space<semaphore_mem>>) src(%dma_wait3A_106 : memref<72x128xi32, #tpu.memory_space<hbm>>) dst(%dma_wait3A_104 : memref<72x128xi32, #tpu.memory_space<vmem>>)
      tpu.yield
    }) : () -> ()
    "tpu.region"() ({
      %run_scoped3A = tpu.sem_alloc : memref<!tpu.dma_semaphore, #tpu.memory_space<semaphore_mem>>
      %dma_start3A = arith.constant 0 : i32
      %dma_start3A_89 = arith.constant 0 : i32
      %dma_start3A_90 = tpu.memref_slice %arg7[%dma_start3A, %dma_start3A_89] : memref<80x128xi32, #tpu.memory_space<vmem>> -> memref<72x128xi32, #tpu.memory_space<vmem>>
      %dma_start3A_91 = arith.constant 0 : i32
      %dma_start3A_92 = tpu.memref_slice %arg4[%add3A_6, %dma_start3A_91] : memref<2500x128xi32, #tpu.memory_space<hbm>> -> memref<72x128xi32, #tpu.memory_space<hbm>>
      %dma_start3A_93 = arith.constant 0 : i32
      %dma_start3A_94 = arith.constant 0 : i32
      %dma_start3A_95 = tpu.memref_slice %arg7[%dma_start3A_93, %dma_start3A_94] : memref<80x128xi32, #tpu.memory_space<vmem>> -> memref<72x128xi32, #tpu.memory_space<vmem>>
      %dma_start3A_96 = arith.constant 0 : i32
      %dma_start3A_97 = tpu.memref_slice %arg4[%add3A_6, %dma_start3A_96] : memref<2500x128xi32, #tpu.memory_space<hbm>> -> memref<72x128xi32, #tpu.memory_space<hbm>>
      tpu.enqueue_dma source(%dma_start3A_97 : memref<72x128xi32, #tpu.memory_space<hbm>>) target(%dma_start3A_95 : memref<72x128xi32, #tpu.memory_space<vmem>>) target_semaphore(%run_scoped3A : memref<!tpu.dma_semaphore, #tpu.memory_space<semaphore_mem>>)
      %dma_wait3A = arith.constant 0 : i32
      %dma_wait3A_98 = arith.constant 0 : i32
      %dma_wait3A_99 = tpu.memref_slice %arg7[%dma_wait3A, %dma_wait3A_98] : memref<80x128xi32, #tpu.memory_space<vmem>> -> memref<72x128xi32, #tpu.memory_space<vmem>>
      %dma_wait3A_100 = arith.constant 0 : i32
      %dma_wait3A_101 = tpu.memref_slice %arg4[%add3A_6, %dma_wait3A_100] : memref<2500x128xi32, #tpu.memory_space<hbm>> -> memref<72x128xi32, #tpu.memory_space<hbm>>
      %dma_wait3A_102 = arith.constant 0 : i32
      %dma_wait3A_103 = arith.constant 0 : i32
      %dma_wait3A_104 = tpu.memref_slice %arg7[%dma_wait3A_102, %dma_wait3A_103] : memref<80x128xi32, #tpu.memory_space<vmem>> -> memref<72x128xi32, #tpu.memory_space<vmem>>
      %dma_wait3A_105 = arith.constant 0 : i32
      %dma_wait3A_106 = tpu.memref_slice %arg4[%add3A_6, %dma_wait3A_105] : memref<2500x128xi32, #tpu.memory_space<hbm>> -> memref<72x128xi32, #tpu.memory_space<hbm>>
      tpu.wait_dma2 semaphore(%run_scoped3A : memref<!tpu.dma_semaphore, #tpu.memory_space<semaphore_mem>>) src(%dma_wait3A_106 : memref<72x128xi32, #tpu.memory_space<hbm>>) dst(%dma_wait3A_104 : memref<72x128xi32, #tpu.memory_space<vmem>>)
      tpu.yield
    }) : () -> ()
    %lt3A = arith.constant 24 : i32
    %lt3A_7 = arith.cmpi slt, %add3A, %lt3A : i32
    %convert_element_type3A = arith.extui %lt3A_7 : i1 to i32
    %cond3A = arith.constant 0 : i32
    %cond3A_8 = arith.cmpi ne, %convert_element_type3A, %cond3A : i32
    scf.if %cond3A_8 {
      %add3A_89 = arith.constant 72 : i32
      %add3A_90 = arith.addi %add3A_6, %add3A_89 : i32
      "tpu.region"() ({
        %run_scoped3A = tpu.sem_alloc : memref<!tpu.dma_semaphore, #tpu.memory_space<semaphore_mem>>
        %dma_start3A = arith.constant 72 : i32
        %dma_start3A_93 = arith.constant 0 : i32
        %dma_start3A_94 = tpu.memref_slice %arg6[%dma_start3A, %dma_start3A_93] : memref<80x128xi32, #tpu.memory_space<vmem>> -> memref<8x128xi32, #tpu.memory_space<vmem>>
        %dma_start3A_95 = arith.constant 0 : i32
        %dma_start3A_96 = tpu.memref_slice %arg3[%add3A_90, %dma_start3A_95] : memref<2500x128xi32, #tpu.memory_space<hbm>> -> memref<8x128xi32, #tpu.memory_space<hbm>>
        %dma_start3A_97 = arith.constant 72 : i32
        %dma_start3A_98 = arith.constant 0 : i32
        %dma_start3A_99 = tpu.memref_slice %arg6[%dma_start3A_97, %dma_start3A_98] : memref<80x128xi32, #tpu.memory_space<vmem>> -> memref<8x128xi32, #tpu.memory_space<vmem>>
        %dma_start3A_100 = arith.constant 0 : i32
        %dma_start3A_101 = tpu.memref_slice %arg3[%add3A_90, %dma_start3A_100] : memref<2500x128xi32, #tpu.memory_space<hbm>> -> memref<8x128xi32, #tpu.memory_space<hbm>>
        tpu.enqueue_dma source(%dma_start3A_101 : memref<8x128xi32, #tpu.memory_space<hbm>>) target(%dma_start3A_99 : memref<8x128xi32, #tpu.memory_space<vmem>>) target_semaphore(%run_scoped3A : memref<!tpu.dma_semaphore, #tpu.memory_space<semaphore_mem>>)
        %dma_wait3A = arith.constant 72 : i32
        %dma_wait3A_102 = arith.constant 0 : i32
        %dma_wait3A_103 = tpu.memref_slice %arg6[%dma_wait3A, %dma_wait3A_102] : memref<80x128xi32, #tpu.memory_space<vmem>> -> memref<8x128xi32, #tpu.memory_space<vmem>>
        %dma_wait3A_104 = arith.constant 0 : i32
        %dma_wait3A_105 = tpu.memref_slice %arg3[%add3A_90, %dma_wait3A_104] : memref<2500x128xi32, #tpu.memory_space<hbm>> -> memref<8x128xi32, #tpu.memory_space<hbm>>
        %dma_wait3A_106 = arith.constant 72 : i32
        %dma_wait3A_107 = arith.constant 0 : i32
        %dma_wait3A_108 = tpu.memref_slice %arg6[%dma_wait3A_106, %dma_wait3A_107] : memref<80x128xi32, #tpu.memory_space<vmem>> -> memref<8x128xi32, #tpu.memory_space<vmem>>
        %dma_wait3A_109 = arith.constant 0 : i32
        %dma_wait3A_110 = tpu.memref_slice %arg3[%add3A_90, %dma_wait3A_109] : memref<2500x128xi32, #tpu.memory_space<hbm>> -> memref<8x128xi32, #tpu.memory_space<hbm>>
        tpu.wait_dma2 semaphore(%run_scoped3A : memref<!tpu.dma_semaphore, #tpu.memory_space<semaphore_mem>>) src(%dma_wait3A_110 : memref<8x128xi32, #tpu.memory_space<hbm>>) dst(%dma_wait3A_108 : memref<8x128xi32, #tpu.memory_space<vmem>>)
        tpu.yield
      }) : () -> ()
      %add3A_91 = arith.constant 72 : i32
      %add3A_92 = arith.addi %add3A_6, %add3A_91 : i32
      "tpu.region"() ({
        %run_scoped3A = tpu.sem_alloc : memref<!tpu.dma_semaphore, #tpu.memory_space<semaphore_mem>>
        %dma_start3A = arith.constant 72 : i32
        %dma_start3A_93 = arith.constant 0 : i32
        %dma_start3A_94 = tpu.memref_slice %arg7[%dma_start3A, %dma_start3A_93] : memref<80x128xi32, #tpu.memory_space<vmem>> -> memref<8x128xi32, #tpu.memory_space<vmem>>
        %dma_start3A_95 = arith.constant 0 : i32
        %dma_start3A_96 = tpu.memref_slice %arg4[%add3A_92, %dma_start3A_95] : memref<2500x128xi32, #tpu.memory_space<hbm>> -> memref<8x128xi32, #tpu.memory_space<hbm>>
        %dma_start3A_97 = arith.constant 72 : i32
        %dma_start3A_98 = arith.constant 0 : i32
        %dma_start3A_99 = tpu.memref_slice %arg7[%dma_start3A_97, %dma_start3A_98] : memref<80x128xi32, #tpu.memory_space<vmem>> -> memref<8x128xi32, #tpu.memory_space<vmem>>
        %dma_start3A_100 = arith.constant 0 : i32
        %dma_start3A_101 = tpu.memref_slice %arg4[%add3A_92, %dma_start3A_100] : memref<2500x128xi32, #tpu.memory_space<hbm>> -> memref<8x128xi32, #tpu.memory_space<hbm>>
        tpu.enqueue_dma source(%dma_start3A_101 : memref<8x128xi32, #tpu.memory_space<hbm>>) target(%dma_start3A_99 : memref<8x128xi32, #tpu.memory_space<vmem>>) target_semaphore(%run_scoped3A : memref<!tpu.dma_semaphore, #tpu.memory_space<semaphore_mem>>)
        %dma_wait3A = arith.constant 72 : i32
        %dma_wait3A_102 = arith.constant 0 : i32
        %dma_wait3A_103 = tpu.memref_slice %arg7[%dma_wait3A, %dma_wait3A_102] : memref<80x128xi32, #tpu.memory_space<vmem>> -> memref<8x128xi32, #tpu.memory_space<vmem>>
        %dma_wait3A_104 = arith.constant 0 : i32
        %dma_wait3A_105 = tpu.memref_slice %arg4[%add3A_92, %dma_wait3A_104] : memref<2500x128xi32, #tpu.memory_space<hbm>> -> memref<8x128xi32, #tpu.memory_space<hbm>>
        %dma_wait3A_106 = arith.constant 72 : i32
        %dma_wait3A_107 = arith.constant 0 : i32
        %dma_wait3A_108 = tpu.memref_slice %arg7[%dma_wait3A_106, %dma_wait3A_107] : memref<80x128xi32, #tpu.memory_space<vmem>> -> memref<8x128xi32, #tpu.memory_space<vmem>>
        %dma_wait3A_109 = arith.constant 0 : i32
        %dma_wait3A_110 = tpu.memref_slice %arg4[%add3A_92, %dma_wait3A_109] : memref<2500x128xi32, #tpu.memory_space<hbm>> -> memref<8x128xi32, #tpu.memory_space<hbm>>
        tpu.wait_dma2 semaphore(%run_scoped3A : memref<!tpu.dma_semaphore, #tpu.memory_space<semaphore_mem>>) src(%dma_wait3A_110 : memref<8x128xi32, #tpu.memory_space<hbm>>) dst(%dma_wait3A_108 : memref<8x128xi32, #tpu.memory_space<vmem>>)
        tpu.yield
      }) : () -> ()
    } else {
    }
    %eq3A = arith.constant 31 : i32
    %eq3A_9 = arith.cmpi eq, %add3A, %eq3A : i32
    %convert_element_type3A_10 = arith.extui %eq3A_9 : i1 to i32
    %cond3A_11 = arith.constant 0 : i32
    %cond3A_12 = arith.cmpi ne, %convert_element_type3A_10, %cond3A_11 : i32
    scf.if %cond3A_12 {
      %add3A_89 = arith.constant 72 : i32
      %add3A_90 = arith.addi %add3A_6, %add3A_89 : i32
      "tpu.region"() ({
        %run_scoped3A = tpu.sem_alloc : memref<!tpu.dma_semaphore, #tpu.memory_space<semaphore_mem>>
        %dma_start3A = arith.constant 72 : i32
        %dma_start3A_93 = arith.constant 0 : i32
        %dma_start3A_94 = tpu.memref_slice %arg6[%dma_start3A, %dma_start3A_93] : memref<80x128xi32, #tpu.memory_space<vmem>> -> memref<4x128xi32, #tpu.memory_space<vmem>>
        %dma_start3A_95 = arith.constant 0 : i32
        %dma_start3A_96 = tpu.memref_slice %arg3[%add3A_90, %dma_start3A_95] : memref<2500x128xi32, #tpu.memory_space<hbm>> -> memref<4x128xi32, #tpu.memory_space<hbm>>
        %dma_start3A_97 = arith.constant 72 : i32
        %dma_start3A_98 = arith.constant 0 : i32
        %dma_start3A_99 = tpu.memref_slice %arg6[%dma_start3A_97, %dma_start3A_98] : memref<80x128xi32, #tpu.memory_space<vmem>> -> memref<4x128xi32, #tpu.memory_space<vmem>>
        %dma_start3A_100 = arith.constant 0 : i32
        %dma_start3A_101 = tpu.memref_slice %arg3[%add3A_90, %dma_start3A_100] : memref<2500x128xi32, #tpu.memory_space<hbm>> -> memref<4x128xi32, #tpu.memory_space<hbm>>
        tpu.enqueue_dma source(%dma_start3A_101 : memref<4x128xi32, #tpu.memory_space<hbm>>) target(%dma_start3A_99 : memref<4x128xi32, #tpu.memory_space<vmem>>) target_semaphore(%run_scoped3A : memref<!tpu.dma_semaphore, #tpu.memory_space<semaphore_mem>>)
        %dma_wait3A = arith.constant 72 : i32
        %dma_wait3A_102 = arith.constant 0 : i32
        %dma_wait3A_103 = tpu.memref_slice %arg6[%dma_wait3A, %dma_wait3A_102] : memref<80x128xi32, #tpu.memory_space<vmem>> -> memref<4x128xi32, #tpu.memory_space<vmem>>
        %dma_wait3A_104 = arith.constant 0 : i32
        %dma_wait3A_105 = tpu.memref_slice %arg3[%add3A_90, %dma_wait3A_104] : memref<2500x128xi32, #tpu.memory_space<hbm>> -> memref<4x128xi32, #tpu.memory_space<hbm>>
        %dma_wait3A_106 = arith.constant 72 : i32
        %dma_wait3A_107 = arith.constant 0 : i32
        %dma_wait3A_108 = tpu.memref_slice %arg6[%dma_wait3A_106, %dma_wait3A_107] : memref<80x128xi32, #tpu.memory_space<vmem>> -> memref<4x128xi32, #tpu.memory_space<vmem>>
        %dma_wait3A_109 = arith.constant 0 : i32
        %dma_wait3A_110 = tpu.memref_slice %arg3[%add3A_90, %dma_wait3A_109] : memref<2500x128xi32, #tpu.memory_space<hbm>> -> memref<4x128xi32, #tpu.memory_space<hbm>>
        tpu.wait_dma2 semaphore(%run_scoped3A : memref<!tpu.dma_semaphore, #tpu.memory_space<semaphore_mem>>) src(%dma_wait3A_110 : memref<4x128xi32, #tpu.memory_space<hbm>>) dst(%dma_wait3A_108 : memref<4x128xi32, #tpu.memory_space<vmem>>)
        tpu.yield
      }) : () -> ()
      %add3A_91 = arith.constant 72 : i32
      %add3A_92 = arith.addi %add3A_6, %add3A_91 : i32
      "tpu.region"() ({
        %run_scoped3A = tpu.sem_alloc : memref<!tpu.dma_semaphore, #tpu.memory_space<semaphore_mem>>
        %dma_start3A = arith.constant 72 : i32
        %dma_start3A_93 = arith.constant 0 : i32
        %dma_start3A_94 = tpu.memref_slice %arg7[%dma_start3A, %dma_start3A_93] : memref<80x128xi32, #tpu.memory_space<vmem>> -> memref<4x128xi32, #tpu.memory_space<vmem>>
        %dma_start3A_95 = arith.constant 0 : i32
        %dma_start3A_96 = tpu.memref_slice %arg4[%add3A_92, %dma_start3A_95] : memref<2500x128xi32, #tpu.memory_space<hbm>> -> memref<4x128xi32, #tpu.memory_space<hbm>>
        %dma_start3A_97 = arith.constant 72 : i32
        %dma_start3A_98 = arith.constant 0 : i32
        %dma_start3A_99 = tpu.memref_slice %arg7[%dma_start3A_97, %dma_start3A_98] : memref<80x128xi32, #tpu.memory_space<vmem>> -> memref<4x128xi32, #tpu.memory_space<vmem>>
        %dma_start3A_100 = arith.constant 0 : i32
        %dma_start3A_101 = tpu.memref_slice %arg4[%add3A_92, %dma_start3A_100] : memref<2500x128xi32, #tpu.memory_space<hbm>> -> memref<4x128xi32, #tpu.memory_space<hbm>>
        tpu.enqueue_dma source(%dma_start3A_101 : memref<4x128xi32, #tpu.memory_space<hbm>>) target(%dma_start3A_99 : memref<4x128xi32, #tpu.memory_space<vmem>>) target_semaphore(%run_scoped3A : memref<!tpu.dma_semaphore, #tpu.memory_space<semaphore_mem>>)
        %dma_wait3A = arith.constant 72 : i32
        %dma_wait3A_102 = arith.constant 0 : i32
        %dma_wait3A_103 = tpu.memref_slice %arg7[%dma_wait3A, %dma_wait3A_102] : memref<80x128xi32, #tpu.memory_space<vmem>> -> memref<4x128xi32, #tpu.memory_space<vmem>>
        %dma_wait3A_104 = arith.constant 0 : i32
        %dma_wait3A_105 = tpu.memref_slice %arg4[%add3A_92, %dma_wait3A_104] : memref<2500x128xi32, #tpu.memory_space<hbm>> -> memref<4x128xi32, #tpu.memory_space<hbm>>
        %dma_wait3A_106 = arith.constant 72 : i32
        %dma_wait3A_107 = arith.constant 0 : i32
        %dma_wait3A_108 = tpu.memref_slice %arg7[%dma_wait3A_106, %dma_wait3A_107] : memref<80x128xi32, #tpu.memory_space<vmem>> -> memref<4x128xi32, #tpu.memory_space<vmem>>
        %dma_wait3A_109 = arith.constant 0 : i32
        %dma_wait3A_110 = tpu.memref_slice %arg4[%add3A_92, %dma_wait3A_109] : memref<2500x128xi32, #tpu.memory_space<hbm>> -> memref<4x128xi32, #tpu.memory_space<hbm>>
        tpu.wait_dma2 semaphore(%run_scoped3A : memref<!tpu.dma_semaphore, #tpu.memory_space<semaphore_mem>>) src(%dma_wait3A_110 : memref<4x128xi32, #tpu.memory_space<hbm>>) dst(%dma_wait3A_108 : memref<4x128xi32, #tpu.memory_space<vmem>>)
        tpu.yield
      }) : () -> ()
    } else {
    }
    %lt3A_13 = arith.constant 24 : i32
    %lt3A_14 = arith.cmpi slt, %add3A, %lt3A_13 : i32
    %convert_element_type3A_15 = arith.extui %lt3A_14 : i1 to i32
    %mul3A_16 = arith.constant 8 : i32
    %mul3A_17 = arith.muli %mul3A_16, %convert_element_type3A_15 : i32
    %add3A_18 = arith.constant 72 : i32
    %add3A_19 = arith.addi %add3A_18, %mul3A_17 : i32
    %eq3A_20 = arith.constant 31 : i32
    %eq3A_21 = arith.cmpi eq, %add3A, %eq3A_20 : i32
    %convert_element_type3A_22 = arith.extui %eq3A_21 : i1 to i32
    %mul3A_23 = arith.constant 4 : i32
    %mul3A_24 = arith.muli %mul3A_23, %convert_element_type3A_22 : i32
    %add3A_25 = arith.addi %add3A_19, %mul3A_24 : i32
    %broadcast_in_dim3A = arith.constant 0.000000e+00 : f32
    %broadcast_in_dim3A_26 = vector.broadcast %broadcast_in_dim3A : f32 to vector<16xf32>
    %broadcast_in_dim3A_27 = arith.constant 1.000000e+00 : f32
    %broadcast_in_dim3A_28 = vector.broadcast %broadcast_in_dim3A_27 : f32 to vector<16xf32>
    %swap3A = arith.constant 0 : index
    %swap3A_29 = tpu.vector_load %arg8[%swap3A] {strides = array<i32>} : memref<128xf32, #tpu.memory_space<vmem>>, vector<16xf32>,
    %swap3A_30 = vector.shape_cast %swap3A_29 : vector<16xf32> to vector<16xf32>
    %swap3A_31 = vector.shape_cast %broadcast_in_dim3A_28 : vector<16xf32> to vector<16xf32>
    tpu.vector_store %arg8[%swap3A], %swap3A_31 {strides = array<i32>} : memref<128xf32, #tpu.memory_space<vmem>>, vector<16xf32>,
    %swap3A_32 = arith.constant 16 : index
    %swap3A_33 = tpu.vector_load %arg8[%swap3A_32] {strides = array<i32>} : memref<128xf32, #tpu.memory_space<vmem>>, vector<16xf32>,
    %swap3A_34 = vector.shape_cast %swap3A_33 : vector<16xf32> to vector<16xf32>
    %swap3A_35 = vector.shape_cast %broadcast_in_dim3A_28 : vector<16xf32> to vector<16xf32>
    tpu.vector_store %arg8[%swap3A_32], %swap3A_35 {strides = array<i32>} : memref<128xf32, #tpu.memory_space<vmem>>, vector<16xf32>,
    %swap3A_36 = arith.constant 32 : index
    %swap3A_37 = tpu.vector_load %arg8[%swap3A_36] {strides = array<i32>} : memref<128xf32, #tpu.memory_space<vmem>>, vector<16xf32>,
    %swap3A_38 = vector.shape_cast %swap3A_37 : vector<16xf32> to vector<16xf32>
    %swap3A_39 = vector.shape_cast %broadcast_in_dim3A_28 : vector<16xf32> to vector<16xf32>
    tpu.vector_store %arg8[%swap3A_36], %swap3A_39 {strides = array<i32>} : memref<128xf32, #tpu.memory_space<vmem>>, vector<16xf32>,
    %swap3A_40 = arith.constant 48 : index
    %swap3A_41 = tpu.vector_load %arg8[%swap3A_40] {strides = array<i32>} : memref<128xf32, #tpu.memory_space<vmem>>, vector<16xf32>,
    %swap3A_42 = vector.shape_cast %swap3A_41 : vector<16xf32> to vector<16xf32>
    %swap3A_43 = vector.shape_cast %broadcast_in_dim3A_28 : vector<16xf32> to vector<16xf32>
    tpu.vector_store %arg8[%swap3A_40], %swap3A_43 {strides = array<i32>} : memref<128xf32, #tpu.memory_space<vmem>>, vector<16xf32>,
    %swap3A_44 = arith.constant 64 : index
    %swap3A_45 = tpu.vector_load %arg8[%swap3A_44] {strides = array<i32>} : memref<128xf32, #tpu.memory_space<vmem>>, vector<16xf32>,
    %swap3A_46 = vector.shape_cast %swap3A_45 : vector<16xf32> to vector<16xf32>
    %swap3A_47 = vector.shape_cast %broadcast_in_dim3A_28 : vector<16xf32> to vector<16xf32>
    tpu.vector_store %arg8[%swap3A_44], %swap3A_47 {strides = array<i32>} : memref<128xf32, #tpu.memory_space<vmem>>, vector<16xf32>,
    %swap3A_48 = arith.constant 80 : index
    %swap3A_49 = tpu.vector_load %arg8[%swap3A_48] {strides = array<i32>} : memref<128xf32, #tpu.memory_space<vmem>>, vector<16xf32>,
    %swap3A_50 = vector.shape_cast %swap3A_49 : vector<16xf32> to vector<16xf32>
    %swap3A_51 = vector.shape_cast %broadcast_in_dim3A_28 : vector<16xf32> to vector<16xf32>
    tpu.vector_store %arg8[%swap3A_48], %swap3A_51 {strides = array<i32>} : memref<128xf32, #tpu.memory_space<vmem>>, vector<16xf32>,
    %swap3A_52 = arith.constant 96 : index
    %swap3A_53 = tpu.vector_load %arg8[%swap3A_52] {strides = array<i32>} : memref<128xf32, #tpu.memory_space<vmem>>, vector<16xf32>,
    %swap3A_54 = vector.shape_cast %swap3A_53 : vector<16xf32> to vector<16xf32>
    %swap3A_55 = vector.shape_cast %broadcast_in_dim3A_28 : vector<16xf32> to vector<16xf32>
    tpu.vector_store %arg8[%swap3A_52], %swap3A_55 {strides = array<i32>} : memref<128xf32, #tpu.memory_space<vmem>>, vector<16xf32>,
    %swap3A_56 = arith.constant 112 : index
    %swap3A_57 = tpu.vector_load %arg8[%swap3A_56] {strides = array<i32>} : memref<128xf32, #tpu.memory_space<vmem>>, vector<16xf32>,
    %swap3A_58 = vector.shape_cast %swap3A_57 : vector<16xf32> to vector<16xf32>
    %swap3A_59 = vector.shape_cast %broadcast_in_dim3A_28 : vector<16xf32> to vector<16xf32>
    tpu.vector_store %arg8[%swap3A_56], %swap3A_59 {strides = array<i32>} : memref<128xf32, #tpu.memory_space<vmem>>, vector<16xf32>,
    %scan3A = arith.constant 0 : i32
    %scan3A_60 = arith.constant 0 : i32
    %scan3A_61 = arith.constant 128 : i32
    %scan3A_62 = arith.addi %scan3A_60, %scan3A_61 : i32
    %scan3A_63 = arith.constant 1 : i32
    scf.for %scan3A_89 = %scan3A_60 to %scan3A_62 step %scan3A_63  : i32 {
      %mul3A_90 = arith.constant 16 : i32
      %mul3A_91 = arith.muli %scan3A_89, %mul3A_90 : i32
      %swap3A_92 = arith.index_cast %mul3A_91 : i32 to index
      %swap3A_93 = tpu.vector_load %arg9[%swap3A_92] {strides = array<i32>} : memref<2048xf32, #tpu.memory_space<vmem>>, vector<16xf32>,
      %swap3A_94 = vector.shape_cast %swap3A_93 : vector<16xf32> to vector<16xf32>
      %swap3A_95 = vector.shape_cast %broadcast_in_dim3A_26 : vector<16xf32> to vector<16xf32>
      tpu.vector_store %arg9[%swap3A_92], %swap3A_95 {strides = array<i32>} : memref<2048xf32, #tpu.memory_space<vmem>>, vector<16xf32>,
    }
    %scan3A_64 = arith.constant 128 : i32
    %mul3A_65 = arith.constant 640 : i32
    %mul3A_66 = arith.muli %arg1, %mul3A_65 : i32
    %mul3A_67 = arith.constant 16 : i32
    %mul3A_68 = arith.muli %mul3A_66, %mul3A_67 : i32
    %add3A_69 = arith.constant 0 : i32
    %add3A_70 = arith.addi %mul3A_68, %add3A_69 : i32
    "tpu.region"() ({
      %run_scoped3A = tpu.sem_alloc : memref<!tpu.dma_semaphore, #tpu.memory_space<semaphore_mem>>
      %dma_start3A = tpu.memref_slice %arg10[%add3A_70] : memref<163840xf32, #tpu.memory_space<vmem_shared>> -> memref<2048xf32, #tpu.memory_space<vmem_shared>>
      %dma_start3A_89 = tpu.memref_slice %arg10[%add3A_70] : memref<163840xf32, #tpu.memory_space<vmem_shared>> -> memref<2048xf32, #tpu.memory_space<vmem_shared>>
      tpu.enqueue_dma source(%arg9 : memref<2048xf32, #tpu.memory_space<vmem>>) target(%dma_start3A_89 : memref<2048xf32, #tpu.memory_space<vmem_shared>>) target_semaphore(%run_scoped3A : memref<!tpu.dma_semaphore, #tpu.memory_space<semaphore_mem>>)
      %dma_wait3A = tpu.memref_slice %arg10[%add3A_70] : memref<163840xf32, #tpu.memory_space<vmem_shared>> -> memref<2048xf32, #tpu.memory_space<vmem_shared>>
      %dma_wait3A_90 = tpu.memref_slice %arg10[%add3A_70] : memref<163840xf32, #tpu.memory_space<vmem_shared>> -> memref<2048xf32, #tpu.memory_space<vmem_shared>>
      tpu.wait_dma2 semaphore(%run_scoped3A : memref<!tpu.dma_semaphore, #tpu.memory_space<semaphore_mem>>) src(%arg9 : memref<2048xf32, #tpu.memory_space<vmem>>) dst(%dma_wait3A_90 : memref<2048xf32, #tpu.memory_space<vmem_shared>>)
      tpu.yield
    }) : () -> ()
    %add3A_71 = arith.constant 2048 : i32
    %add3A_72 = arith.addi %mul3A_68, %add3A_71 : i32
    "tpu.region"() ({
      %run_scoped3A = tpu.sem_alloc : memref<!tpu.dma_semaphore, #tpu.memory_space<semaphore_mem>>
      %dma_start3A = tpu.memref_slice %arg10[%add3A_72] : memref<163840xf32, #tpu.memory_space<vmem_shared>> -> memref<2048xf32, #tpu.memory_space<vmem_shared>>
      %dma_start3A_89 = tpu.memref_slice %arg10[%add3A_72] : memref<163840xf32, #tpu.memory_space<vmem_shared>> -> memref<2048xf32, #tpu.memory_space<vmem_shared>>
      tpu.enqueue_dma source(%arg9 : memref<2048xf32, #tpu.memory_space<vmem>>) target(%dma_start3A_89 : memref<2048xf32, #tpu.memory_space<vmem_shared>>) target_semaphore(%run_scoped3A : memref<!tpu.dma_semaphore, #tpu.memory_space<semaphore_mem>>)
      %dma_wait3A = tpu.memref_slice %arg10[%add3A_72] : memref<163840xf32, #tpu.memory_space<vmem_shared>> -> memref<2048xf32, #tpu.memory_space<vmem_shared>>
      %dma_wait3A_90 = tpu.memref_slice %arg10[%add3A_72] : memref<163840xf32, #tpu.memory_space<vmem_shared>> -> memref<2048xf32, #tpu.memory_space<vmem_shared>>
      tpu.wait_dma2 semaphore(%run_scoped3A : memref<!tpu.dma_semaphore, #tpu.memory_space<semaphore_mem>>) src(%arg9 : memref<2048xf32, #tpu.memory_space<vmem>>) dst(%dma_wait3A_90 : memref<2048xf32, #tpu.memory_space<vmem_shared>>)
      tpu.yield
    }) : () -> ()
    %add3A_73 = arith.constant 4096 : i32
    %add3A_74 = arith.addi %mul3A_68, %add3A_73 : i32
    "tpu.region"() ({
      %run_scoped3A = tpu.sem_alloc : memref<!tpu.dma_semaphore, #tpu.memory_space<semaphore_mem>>
      %dma_start3A = tpu.memref_slice %arg10[%add3A_74] : memref<163840xf32, #tpu.memory_space<vmem_shared>> -> memref<2048xf32, #tpu.memory_space<vmem_shared>>
      %dma_start3A_89 = tpu.memref_slice %arg10[%add3A_74] : memref<163840xf32, #tpu.memory_space<vmem_shared>> -> memref<2048xf32, #tpu.memory_space<vmem_shared>>
      tpu.enqueue_dma source(%arg9 : memref<2048xf32, #tpu.memory_space<vmem>>) target(%dma_start3A_89 : memref<2048xf32, #tpu.memory_space<vmem_shared>>) target_semaphore(%run_scoped3A : memref<!tpu.dma_semaphore, #tpu.memory_space<semaphore_mem>>)
      %dma_wait3A = tpu.memref_slice %arg10[%add3A_74] : memref<163840xf32, #tpu.memory_space<vmem_shared>> -> memref<2048xf32, #tpu.memory_space<vmem_shared>>
      %dma_wait3A_90 = tpu.memref_slice %arg10[%add3A_74] : memref<163840xf32, #tpu.memory_space<vmem_shared>> -> memref<2048xf32, #tpu.memory_space<vmem_shared>>
      tpu.wait_dma2 semaphore(%run_scoped3A : memref<!tpu.dma_semaphore, #tpu.memory_space<semaphore_mem>>) src(%arg9 : memref<2048xf32, #tpu.memory_space<vmem>>) dst(%dma_wait3A_90 : memref<2048xf32, #tpu.memory_space<vmem_shared>>)
      tpu.yield
    }) : () -> ()
    %add3A_75 = arith.constant 6144 : i32
    %add3A_76 = arith.addi %mul3A_68, %add3A_75 : i32
    "tpu.region"() ({
      %run_scoped3A = tpu.sem_alloc : memref<!tpu.dma_semaphore, #tpu.memory_space<semaphore_mem>>
      %dma_start3A = tpu.memref_slice %arg10[%add3A_76] : memref<163840xf32, #tpu.memory_space<vmem_shared>> -> memref<2048xf32, #tpu.memory_space<vmem_shared>>
      %dma_start3A_89 = tpu.memref_slice %arg10[%add3A_76] : memref<163840xf32, #tpu.memory_space<vmem_shared>> -> memref<2048xf32, #tpu.memory_space<vmem_shared>>
      tpu.enqueue_dma source(%arg9 : memref<2048xf32, #tpu.memory_space<vmem>>) target(%dma_start3A_89 : memref<2048xf32, #tpu.memory_space<vmem_shared>>) target_semaphore(%run_scoped3A : memref<!tpu.dma_semaphore, #tpu.memory_space<semaphore_mem>>)
      %dma_wait3A = tpu.memref_slice %arg10[%add3A_76] : memref<163840xf32, #tpu.memory_space<vmem_shared>> -> memref<2048xf32, #tpu.memory_space<vmem_shared>>
      %dma_wait3A_90 = tpu.memref_slice %arg10[%add3A_76] : memref<163840xf32, #tpu.memory_space<vmem_shared>> -> memref<2048xf32, #tpu.memory_space<vmem_shared>>
      tpu.wait_dma2 semaphore(%run_scoped3A : memref<!tpu.dma_semaphore, #tpu.memory_space<semaphore_mem>>) src(%arg9 : memref<2048xf32, #tpu.memory_space<vmem>>) dst(%dma_wait3A_90 : memref<2048xf32, #tpu.memory_space<vmem_shared>>)
      tpu.yield
    }) : () -> ()
    %add3A_77 = arith.constant 8192 : i32
    %add3A_78 = arith.addi %mul3A_68, %add3A_77 : i32
    "tpu.region"() ({
      %run_scoped3A = tpu.sem_alloc : memref<!tpu.dma_semaphore, #tpu.memory_space<semaphore_mem>>
      %dma_start3A = tpu.memref_slice %arg10[%add3A_78] : memref<163840xf32, #tpu.memory_space<vmem_shared>> -> memref<2048xf32, #tpu.memory_space<vmem_shared>>
      %dma_start3A_89 = tpu.memref_slice %arg10[%add3A_78] : memref<163840xf32, #tpu.memory_space<vmem_shared>> -> memref<2048xf32, #tpu.memory_space<vmem_shared>>
      tpu.enqueue_dma source(%arg9 : memref<2048xf32, #tpu.memory_space<vmem>>) target(%dma_start3A_89 : memref<2048xf32, #tpu.memory_space<vmem_shared>>) target_semaphore(%run_scoped3A : memref<!tpu.dma_semaphore, #tpu.memory_space<semaphore_mem>>)
      %dma_wait3A = tpu.memref_slice %arg10[%add3A_78] : memref<163840xf32, #tpu.memory_space<vmem_shared>> -> memref<2048xf32, #tpu.memory_space<vmem_shared>>
      %dma_wait3A_90 = tpu.memref_slice %arg10[%add3A_78] : memref<163840xf32, #tpu.memory_space<vmem_shared>> -> memref<2048xf32, #tpu.memory_space<vmem_shared>>
      tpu.wait_dma2 semaphore(%run_scoped3A : memref<!tpu.dma_semaphore, #tpu.memory_space<semaphore_mem>>) src(%arg9 : memref<2048xf32, #tpu.memory_space<vmem>>) dst(%dma_wait3A_90 : memref<2048xf32, #tpu.memory_space<vmem_shared>>)
      tpu.yield
    }) : () -> ()
    %barrier3A = arith.constant 0 : index
    tpu.barrier barrier_id(%barrier3A)
    %while3A = arith.constant 0 : i32
    %while3A_79 = arith.constant 0 : i32
    %while3A_80 = arith.subi %add3A_25, %while3A_79 : i32
    %while3A_81 = arith.addi %while3A_79, %while3A_80 : i32
    %while3A_82 = arith.constant 1 : i32
    %while3A_83 = arith.divsi %while3A_80, %while3A_82 : i32
    %while3A_84 = arith.muli %while3A_83, %while3A_82 : i32
    %while3A_85 = arith.addi %while3A_79, %while3A_84 : i32
    %while3A_86 = arith.constant 1 : i32
    scf.for %while3A_89 = %while3A_79 to %while3A_85 step %while3A_86  : i32 {
      "tpu.region"() ({
        %run_scoped3A = tpu.sem_alloc : memref<!tpu.dma_semaphore, #tpu.memory_space<semaphore_mem>>
        %dma_start3A = arith.constant 0 : i32
        %dma_start3A_90 = tpu.memref_slice %arg6[%while3A_89, %dma_start3A] : memref<80x128xi32, #tpu.memory_space<vmem>> -> memref<1x128xi32, #tpu.memory_space<vmem>>
        %dma_start3A_91 = tpu.memref_squeeze %dma_start3A_90 : memref<1x128xi32, #tpu.memory_space<vmem>> -> memref<128xi32, #tpu.memory_space<vmem>>
        %dma_start3A_92 = arith.constant 0 : i32
        %dma_start3A_93 = tpu.memref_slice %arg10[%dma_start3A_92] : memref<163840xf32, #tpu.memory_space<vmem_shared>> -> memref<163840xf32, #tpu.memory_space<vmem_shared>>
        tpu.enqueue_indirect_dma source(%arg8 : memref<128xf32, #tpu.memory_space<vmem>>) target(%dma_start3A_93 : memref<163840xf32, #tpu.memory_space<vmem_shared>>) offsets(%dma_start3A_91 : memref<128xi32, #tpu.memory_space<vmem>>) semaphore(%run_scoped3A : memref<!tpu.dma_semaphore, #tpu.memory_space<semaphore_mem>>) {add = true}
        %dma_wait3A = arith.constant 0 : i32
        %dma_wait3A_94 = tpu.memref_slice %arg6[%while3A_89, %dma_wait3A] : memref<80x128xi32, #tpu.memory_space<vmem>> -> memref<1x128xi32, #tpu.memory_space<vmem>>
        %dma_wait3A_95 = tpu.memref_squeeze %dma_wait3A_94 : memref<1x128xi32, #tpu.memory_space<vmem>> -> memref<128xi32, #tpu.memory_space<vmem>>
        %dma_wait3A_96 = arith.constant 0 : i32
        %dma_wait3A_97 = tpu.memref_slice %arg10[%dma_wait3A_96] : memref<163840xf32, #tpu.memory_space<vmem_shared>> -> memref<163840xf32, #tpu.memory_space<vmem_shared>>
        tpu.wait_indirect_dma semaphore(%run_scoped3A : memref<!tpu.dma_semaphore, #tpu.memory_space<semaphore_mem>>) src(%arg8 : memref<128xf32, #tpu.memory_space<vmem>>) dst(%dma_wait3A_97 : memref<163840xf32, #tpu.memory_space<vmem_shared>>)
        tpu.yield
      }) : () -> ()
      "tpu.region"() ({
        %run_scoped3A = tpu.sem_alloc : memref<!tpu.dma_semaphore, #tpu.memory_space<semaphore_mem>>
        %dma_start3A = arith.constant 0 : i32
        %dma_start3A_90 = tpu.memref_slice %arg7[%while3A_89, %dma_start3A] : memref<80x128xi32, #tpu.memory_space<vmem>> -> memref<1x128xi32, #tpu.memory_space<vmem>>
        %dma_start3A_91 = tpu.memref_squeeze %dma_start3A_90 : memref<1x128xi32, #tpu.memory_space<vmem>> -> memref<128xi32, #tpu.memory_space<vmem>>
        %dma_start3A_92 = arith.constant 0 : i32
        %dma_start3A_93 = tpu.memref_slice %arg10[%dma_start3A_92] : memref<163840xf32, #tpu.memory_space<vmem_shared>> -> memref<163840xf32, #tpu.memory_space<vmem_shared>>
        tpu.enqueue_indirect_dma source(%arg8 : memref<128xf32, #tpu.memory_space<vmem>>) target(%dma_start3A_93 : memref<163840xf32, #tpu.memory_space<vmem_shared>>) offsets(%dma_start3A_91 : memref<128xi32, #tpu.memory_space<vmem>>) semaphore(%run_scoped3A : memref<!tpu.dma_semaphore, #tpu.memory_space<semaphore_mem>>) {add = true}
        %dma_wait3A = arith.constant 0 : i32
        %dma_wait3A_94 = tpu.memref_slice %arg7[%while3A_89, %dma_wait3A] : memref<80x128xi32, #tpu.memory_space<vmem>> -> memref<1x128xi32, #tpu.memory_space<vmem>>
        %dma_wait3A_95 = tpu.memref_squeeze %dma_wait3A_94 : memref<1x128xi32, #tpu.memory_space<vmem>> -> memref<128xi32, #tpu.memory_space<vmem>>
        %dma_wait3A_96 = arith.constant 0 : i32
        %dma_wait3A_97 = tpu.memref_slice %arg10[%dma_wait3A_96] : memref<163840xf32, #tpu.memory_space<vmem_shared>> -> memref<163840xf32, #tpu.memory_space<vmem_shared>>
        tpu.wait_indirect_dma semaphore(%run_scoped3A : memref<!tpu.dma_semaphore, #tpu.memory_space<semaphore_mem>>) src(%arg8 : memref<128xf32, #tpu.memory_space<vmem>>) dst(%dma_wait3A_97 : memref<163840xf32, #tpu.memory_space<vmem_shared>>)
        tpu.yield
      }) : () -> ()
    }
    %while3A_87 = arith.constant 1 : i32
    scf.for %while3A_89 = %while3A_85 to %while3A_81 step %while3A_87  : i32 {
      "tpu.region"() ({
        %run_scoped3A = tpu.sem_alloc : memref<!tpu.dma_semaphore, #tpu.memory_space<semaphore_mem>>
        %dma_start3A = arith.constant 0 : i32
        %dma_start3A_90 = tpu.memref_slice %arg6[%while3A_89, %dma_start3A] : memref<80x128xi32, #tpu.memory_space<vmem>> -> memref<1x128xi32, #tpu.memory_space<vmem>>
        %dma_start3A_91 = tpu.memref_squeeze %dma_start3A_90 : memref<1x128xi32, #tpu.memory_space<vmem>> -> memref<128xi32, #tpu.memory_space<vmem>>
        %dma_start3A_92 = arith.constant 0 : i32
        %dma_start3A_93 = tpu.memref_slice %arg10[%dma_start3A_92] : memref<163840xf32, #tpu.memory_space<vmem_shared>> -> memref<163840xf32, #tpu.memory_space<vmem_shared>>
        tpu.enqueue_indirect_dma source(%arg8 : memref<128xf32, #tpu.memory_space<vmem>>) target(%dma_start3A_93 : memref<163840xf32, #tpu.memory_space<vmem_shared>>) offsets(%dma_start3A_91 : memref<128xi32, #tpu.memory_space<vmem>>) semaphore(%run_scoped3A : memref<!tpu.dma_semaphore, #tpu.memory_space<semaphore_mem>>) {add = true}
        %dma_wait3A = arith.constant 0 : i32
        %dma_wait3A_94 = tpu.memref_slice %arg6[%while3A_89, %dma_wait3A] : memref<80x128xi32, #tpu.memory_space<vmem>> -> memref<1x128xi32, #tpu.memory_space<vmem>>
        %dma_wait3A_95 = tpu.memref_squeeze %dma_wait3A_94 : memref<1x128xi32, #tpu.memory_space<vmem>> -> memref<128xi32, #tpu.memory_space<vmem>>
        %dma_wait3A_96 = arith.constant 0 : i32
        %dma_wait3A_97 = tpu.memref_slice %arg10[%dma_wait3A_96] : memref<163840xf32, #tpu.memory_space<vmem_shared>> -> memref<163840xf32, #tpu.memory_space<vmem_shared>>
        tpu.wait_indirect_dma semaphore(%run_scoped3A : memref<!tpu.dma_semaphore, #tpu.memory_space<semaphore_mem>>) src(%arg8 : memref<128xf32, #tpu.memory_space<vmem>>) dst(%dma_wait3A_97 : memref<163840xf32, #tpu.memory_space<vmem_shared>>)
        tpu.yield
      }) : () -> ()
      "tpu.region"() ({
        %run_scoped3A = tpu.sem_alloc : memref<!tpu.dma_semaphore, #tpu.memory_space<semaphore_mem>>
        %dma_start3A = arith.constant 0 : i32
        %dma_start3A_90 = tpu.memref_slice %arg7[%while3A_89, %dma_start3A] : memref<80x128xi32, #tpu.memory_space<vmem>> -> memref<1x128xi32, #tpu.memory_space<vmem>>
        %dma_start3A_91 = tpu.memref_squeeze %dma_start3A_90 : memref<1x128xi32, #tpu.memory_space<vmem>> -> memref<128xi32, #tpu.memory_space<vmem>>
        %dma_start3A_92 = arith.constant 0 : i32
        %dma_start3A_93 = tpu.memref_slice %arg10[%dma_start3A_92] : memref<163840xf32, #tpu.memory_space<vmem_shared>> -> memref<163840xf32, #tpu.memory_space<vmem_shared>>
        tpu.enqueue_indirect_dma source(%arg8 : memref<128xf32, #tpu.memory_space<vmem>>) target(%dma_start3A_93 : memref<163840xf32, #tpu.memory_space<vmem_shared>>) offsets(%dma_start3A_91 : memref<128xi32, #tpu.memory_space<vmem>>) semaphore(%run_scoped3A : memref<!tpu.dma_semaphore, #tpu.memory_space<semaphore_mem>>) {add = true}
        %dma_wait3A = arith.constant 0 : i32
        %dma_wait3A_94 = tpu.memref_slice %arg7[%while3A_89, %dma_wait3A] : memref<80x128xi32, #tpu.memory_space<vmem>> -> memref<1x128xi32, #tpu.memory_space<vmem>>
        %dma_wait3A_95 = tpu.memref_squeeze %dma_wait3A_94 : memref<1x128xi32, #tpu.memory_space<vmem>> -> memref<128xi32, #tpu.memory_space<vmem>>
        %dma_wait3A_96 = arith.constant 0 : i32
        %dma_wait3A_97 = tpu.memref_slice %arg10[%dma_wait3A_96] : memref<163840xf32, #tpu.memory_space<vmem_shared>> -> memref<163840xf32, #tpu.memory_space<vmem_shared>>
        tpu.wait_indirect_dma semaphore(%run_scoped3A : memref<!tpu.dma_semaphore, #tpu.memory_space<semaphore_mem>>) src(%arg8 : memref<128xf32, #tpu.memory_space<vmem>>) dst(%dma_wait3A_97 : memref<163840xf32, #tpu.memory_space<vmem_shared>>)
        tpu.yield
      }) : () -> ()
    }
    %barrier3A_88 = arith.constant 0 : index
    tpu.barrier barrier_id(%barrier3A_88)
    "tpu.region"() ({
      %run_scoped3A = tpu.sem_alloc : memref<!tpu.dma_semaphore, #tpu.memory_space<semaphore_mem>>
      %dma_start3A = tpu.memref_slice %arg5[%arg0, %mul3A_68] : memref<2x163840xf32, #tpu.memory_space<hbm>> -> memref<1x10240xf32, #tpu.memory_space<hbm>>
      %dma_start3A_89 = tpu.memref_squeeze %dma_start3A : memref<1x10240xf32, #tpu.memory_space<hbm>> -> memref<10240xf32, #tpu.memory_space<hbm>>
      %dma_start3A_90 = tpu.memref_slice %arg10[%mul3A_68] : memref<163840xf32, #tpu.memory_space<vmem_shared>> -> memref<10240xf32, #tpu.memory_space<vmem_shared>>
      tpu.enqueue_dma source(%dma_start3A_90 : memref<10240xf32, #tpu.memory_space<vmem_shared>>) target(%dma_start3A_89 : memref<10240xf32, #tpu.memory_space<hbm>>) target_semaphore(%run_scoped3A : memref<!tpu.dma_semaphore, #tpu.memory_space<semaphore_mem>>)
      %dma_wait3A = tpu.memref_slice %arg5[%arg0, %mul3A_68] : memref<2x163840xf32, #tpu.memory_space<hbm>> -> memref<1x10240xf32, #tpu.memory_space<hbm>>
      %dma_wait3A_91 = tpu.memref_squeeze %dma_wait3A : memref<1x10240xf32, #tpu.memory_space<hbm>> -> memref<10240xf32, #tpu.memory_space<hbm>>
      %dma_wait3A_92 = tpu.memref_slice %arg10[%mul3A_68] : memref<163840xf32, #tpu.memory_space<vmem_shared>> -> memref<10240xf32, #tpu.memory_space<vmem_shared>>
      tpu.wait_dma2 semaphore(%run_scoped3A : memref<!tpu.dma_semaphore, #tpu.memory_space<semaphore_mem>>) src(%dma_wait3A_92 : memref<10240xf32, #tpu.memory_space<vmem_shared>>) dst(%dma_wait3A_91 : memref<10240xf32, #tpu.memory_space<hbm>>)
      tpu.yield
    }) : () -> ()
    return
  }
}

#map = affine_map<(d0, d1) -> (0, 0)>
#map1 = affine_map<(d0, d1) -> (0, 0, 0)>
module attributes {stable_mosaic.version = 14 : i64} {
  func.func @_acc_body(%arg0: i32, %arg1: i32, %arg2: memref<10000x64xf32, #tpu.memory_space<hbm>>, %arg3: memref<10000x64xf32, #tpu.memory_space<hbm>>, %arg4: memref<2x2500x128xi32, #tpu.memory_space<hbm>>, %arg5: memref<2x10112x64xf32, #tpu.memory_space<hbm>>, %arg6: memref<160x128xi32, #tpu.memory_space<vmem>>, %arg7: memref<160x128xi32, #tpu.memory_space<vmem>>, %arg8: memref<128x64xf32, #tpu.memory_space<vmem>>, %arg9: memref<128x64xf32, #tpu.memory_space<vmem>>, %arg10: memref<10112x64xf32, #tpu.memory_space<vmem_shared>>, %arg11: memref<!tpu.dma_semaphore, #tpu.memory_space<semaphore_mem>>, %arg12: memref<!tpu.dma_semaphore, #tpu.memory_space<semaphore_mem>>) attributes {dimension_semantics = [#tpu.dimension_semantics<core_parallel>, #tpu.dimension_semantics<subcore_parallel>], iteration_bounds = array<i64: 2, 16>, scalar_prefetch = 0 : i64, scratch_operands = 7 : i64, tpu.core_type = #tpu.core_type<sc_vector_subcore>, window_params = [{transform_indices = #map}, {transform_indices = #map}, {transform_indices = #map1}, {transform_indices = #map1}]} {
    %mul3A = arith.constant 152 : i32
    %mul3A_0 = arith.muli %arg1, %mul3A : i32
    %min3A = arith.constant 8 : i32
    %min3A_1 = arith.minsi %arg1, %min3A : i32
    %mul3A_2 = arith.constant 8 : i32
    %mul3A_3 = arith.muli %mul3A_2, %min3A_1 : i32
    %add3A = arith.addi %mul3A_0, %mul3A_3 : i32
    %run_scoped3A = arith.constant 0 : i32
    "tpu.region"() ({
      %run_scoped3A_78 = tpu.sem_alloc : memref<!tpu.dma_semaphore, #tpu.memory_space<semaphore_mem>>
      %dma_start3A = arith.constant 0 : i32
      %dma_start3A_79 = arith.constant 0 : i32
      %dma_start3A_80 = tpu.memref_slice %arg6[%dma_start3A, %dma_start3A_79] : memref<160x128xi32, #tpu.memory_space<vmem>> -> memref<152x128xi32, #tpu.memory_space<vmem>>
      %dma_start3A_81 = arith.constant 0 : i32
      %dma_start3A_82 = tpu.memref_slice %arg4[%run_scoped3A, %add3A, %dma_start3A_81] : memref<2x2500x128xi32, #tpu.memory_space<hbm>> -> memref<1x152x128xi32, #tpu.memory_space<hbm>>
      %dma_start3A_83 = tpu.memref_squeeze %dma_start3A_82 : memref<1x152x128xi32, #tpu.memory_space<hbm>> -> memref<152x128xi32, #tpu.memory_space<hbm>>
      %dma_start3A_84 = arith.constant 0 : i32
      %dma_start3A_85 = arith.constant 0 : i32
      %dma_start3A_86 = tpu.memref_slice %arg6[%dma_start3A_84, %dma_start3A_85] : memref<160x128xi32, #tpu.memory_space<vmem>> -> memref<152x128xi32, #tpu.memory_space<vmem>>
      %dma_start3A_87 = arith.constant 0 : i32
      %dma_start3A_88 = tpu.memref_slice %arg4[%run_scoped3A, %add3A, %dma_start3A_87] : memref<2x2500x128xi32, #tpu.memory_space<hbm>> -> memref<1x152x128xi32, #tpu.memory_space<hbm>>
      %dma_start3A_89 = tpu.memref_squeeze %dma_start3A_88 : memref<1x152x128xi32, #tpu.memory_space<hbm>> -> memref<152x128xi32, #tpu.memory_space<hbm>>
      tpu.enqueue_dma source(%dma_start3A_89 : memref<152x128xi32, #tpu.memory_space<hbm>>) target(%dma_start3A_86 : memref<152x128xi32, #tpu.memory_space<vmem>>) target_semaphore(%run_scoped3A_78 : memref<!tpu.dma_semaphore, #tpu.memory_space<semaphore_mem>>)
      %dma_wait3A = arith.constant 0 : i32
      %dma_wait3A_90 = arith.constant 0 : i32
      %dma_wait3A_91 = tpu.memref_slice %arg6[%dma_wait3A, %dma_wait3A_90] : memref<160x128xi32, #tpu.memory_space<vmem>> -> memref<152x128xi32, #tpu.memory_space<vmem>>
      %dma_wait3A_92 = arith.constant 0 : i32
      %dma_wait3A_93 = tpu.memref_slice %arg4[%run_scoped3A, %add3A, %dma_wait3A_92] : memref<2x2500x128xi32, #tpu.memory_space<hbm>> -> memref<1x152x128xi32, #tpu.memory_space<hbm>>
      %dma_wait3A_94 = tpu.memref_squeeze %dma_wait3A_93 : memref<1x152x128xi32, #tpu.memory_space<hbm>> -> memref<152x128xi32, #tpu.memory_space<hbm>>
      %dma_wait3A_95 = arith.constant 0 : i32
      %dma_wait3A_96 = arith.constant 0 : i32
      %dma_wait3A_97 = tpu.memref_slice %arg6[%dma_wait3A_95, %dma_wait3A_96] : memref<160x128xi32, #tpu.memory_space<vmem>> -> memref<152x128xi32, #tpu.memory_space<vmem>>
      %dma_wait3A_98 = arith.constant 0 : i32
      %dma_wait3A_99 = tpu.memref_slice %arg4[%run_scoped3A, %add3A, %dma_wait3A_98] : memref<2x2500x128xi32, #tpu.memory_space<hbm>> -> memref<1x152x128xi32, #tpu.memory_space<hbm>>
      %dma_wait3A_100 = tpu.memref_squeeze %dma_wait3A_99 : memref<1x152x128xi32, #tpu.memory_space<hbm>> -> memref<152x128xi32, #tpu.memory_space<hbm>>
      tpu.wait_dma2 semaphore(%run_scoped3A_78 : memref<!tpu.dma_semaphore, #tpu.memory_space<semaphore_mem>>) src(%dma_wait3A_100 : memref<152x128xi32, #tpu.memory_space<hbm>>) dst(%dma_wait3A_97 : memref<152x128xi32, #tpu.memory_space<vmem>>)
      tpu.yield
    }) : () -> ()
    %run_scoped3A_4 = arith.constant 1 : i32
    "tpu.region"() ({
      %run_scoped3A_78 = tpu.sem_alloc : memref<!tpu.dma_semaphore, #tpu.memory_space<semaphore_mem>>
      %dma_start3A = arith.constant 0 : i32
      %dma_start3A_79 = arith.constant 0 : i32
      %dma_start3A_80 = tpu.memref_slice %arg7[%dma_start3A, %dma_start3A_79] : memref<160x128xi32, #tpu.memory_space<vmem>> -> memref<152x128xi32, #tpu.memory_space<vmem>>
      %dma_start3A_81 = arith.constant 0 : i32
      %dma_start3A_82 = tpu.memref_slice %arg4[%run_scoped3A_4, %add3A, %dma_start3A_81] : memref<2x2500x128xi32, #tpu.memory_space<hbm>> -> memref<1x152x128xi32, #tpu.memory_space<hbm>>
      %dma_start3A_83 = tpu.memref_squeeze %dma_start3A_82 : memref<1x152x128xi32, #tpu.memory_space<hbm>> -> memref<152x128xi32, #tpu.memory_space<hbm>>
      %dma_start3A_84 = arith.constant 0 : i32
      %dma_start3A_85 = arith.constant 0 : i32
      %dma_start3A_86 = tpu.memref_slice %arg7[%dma_start3A_84, %dma_start3A_85] : memref<160x128xi32, #tpu.memory_space<vmem>> -> memref<152x128xi32, #tpu.memory_space<vmem>>
      %dma_start3A_87 = arith.constant 0 : i32
      %dma_start3A_88 = tpu.memref_slice %arg4[%run_scoped3A_4, %add3A, %dma_start3A_87] : memref<2x2500x128xi32, #tpu.memory_space<hbm>> -> memref<1x152x128xi32, #tpu.memory_space<hbm>>
      %dma_start3A_89 = tpu.memref_squeeze %dma_start3A_88 : memref<1x152x128xi32, #tpu.memory_space<hbm>> -> memref<152x128xi32, #tpu.memory_space<hbm>>
      tpu.enqueue_dma source(%dma_start3A_89 : memref<152x128xi32, #tpu.memory_space<hbm>>) target(%dma_start3A_86 : memref<152x128xi32, #tpu.memory_space<vmem>>) target_semaphore(%run_scoped3A_78 : memref<!tpu.dma_semaphore, #tpu.memory_space<semaphore_mem>>)
      %dma_wait3A = arith.constant 0 : i32
      %dma_wait3A_90 = arith.constant 0 : i32
      %dma_wait3A_91 = tpu.memref_slice %arg7[%dma_wait3A, %dma_wait3A_90] : memref<160x128xi32, #tpu.memory_space<vmem>> -> memref<152x128xi32, #tpu.memory_space<vmem>>
      %dma_wait3A_92 = arith.constant 0 : i32
      %dma_wait3A_93 = tpu.memref_slice %arg4[%run_scoped3A_4, %add3A, %dma_wait3A_92] : memref<2x2500x128xi32, #tpu.memory_space<hbm>> -> memref<1x152x128xi32, #tpu.memory_space<hbm>>
      %dma_wait3A_94 = tpu.memref_squeeze %dma_wait3A_93 : memref<1x152x128xi32, #tpu.memory_space<hbm>> -> memref<152x128xi32, #tpu.memory_space<hbm>>
      %dma_wait3A_95 = arith.constant 0 : i32
      %dma_wait3A_96 = arith.constant 0 : i32
      %dma_wait3A_97 = tpu.memref_slice %arg7[%dma_wait3A_95, %dma_wait3A_96] : memref<160x128xi32, #tpu.memory_space<vmem>> -> memref<152x128xi32, #tpu.memory_space<vmem>>
      %dma_wait3A_98 = arith.constant 0 : i32
      %dma_wait3A_99 = tpu.memref_slice %arg4[%run_scoped3A_4, %add3A, %dma_wait3A_98] : memref<2x2500x128xi32, #tpu.memory_space<hbm>> -> memref<1x152x128xi32, #tpu.memory_space<hbm>>
      %dma_wait3A_100 = tpu.memref_squeeze %dma_wait3A_99 : memref<1x152x128xi32, #tpu.memory_space<hbm>> -> memref<152x128xi32, #tpu.memory_space<hbm>>
      tpu.wait_dma2 semaphore(%run_scoped3A_78 : memref<!tpu.dma_semaphore, #tpu.memory_space<semaphore_mem>>) src(%dma_wait3A_100 : memref<152x128xi32, #tpu.memory_space<hbm>>) dst(%dma_wait3A_97 : memref<152x128xi32, #tpu.memory_space<vmem>>)
      tpu.yield
    }) : () -> ()
    %lt3A = arith.constant 8 : i32
    %lt3A_5 = arith.cmpi slt, %arg1, %lt3A : i32
    %convert_element_type3A = arith.extui %lt3A_5 : i1 to i32
    %cond3A = arith.constant 0 : i32
    %cond3A_6 = arith.cmpi ne, %convert_element_type3A, %cond3A : i32
    scf.if %cond3A_6 {
      %add3A_78 = arith.constant 152 : i32
      %add3A_79 = arith.addi %add3A, %add3A_78 : i32
      %run_scoped3A_80 = arith.constant 0 : i32
      "tpu.region"() ({
        %run_scoped3A_84 = tpu.sem_alloc : memref<!tpu.dma_semaphore, #tpu.memory_space<semaphore_mem>>
        %dma_start3A = arith.constant 152 : i32
        %dma_start3A_85 = arith.constant 0 : i32
        %dma_start3A_86 = tpu.memref_slice %arg6[%dma_start3A, %dma_start3A_85] : memref<160x128xi32, #tpu.memory_space<vmem>> -> memref<8x128xi32, #tpu.memory_space<vmem>>
        %dma_start3A_87 = arith.constant 0 : i32
        %dma_start3A_88 = tpu.memref_slice %arg4[%run_scoped3A_80, %add3A_79, %dma_start3A_87] : memref<2x2500x128xi32, #tpu.memory_space<hbm>> -> memref<1x8x128xi32, #tpu.memory_space<hbm>>
        %dma_start3A_89 = tpu.memref_squeeze %dma_start3A_88 : memref<1x8x128xi32, #tpu.memory_space<hbm>> -> memref<8x128xi32, #tpu.memory_space<hbm>>
        %dma_start3A_90 = arith.constant 152 : i32
        %dma_start3A_91 = arith.constant 0 : i32
        %dma_start3A_92 = tpu.memref_slice %arg6[%dma_start3A_90, %dma_start3A_91] : memref<160x128xi32, #tpu.memory_space<vmem>> -> memref<8x128xi32, #tpu.memory_space<vmem>>
        %dma_start3A_93 = arith.constant 0 : i32
        %dma_start3A_94 = tpu.memref_slice %arg4[%run_scoped3A_80, %add3A_79, %dma_start3A_93] : memref<2x2500x128xi32, #tpu.memory_space<hbm>> -> memref<1x8x128xi32, #tpu.memory_space<hbm>>
        %dma_start3A_95 = tpu.memref_squeeze %dma_start3A_94 : memref<1x8x128xi32, #tpu.memory_space<hbm>> -> memref<8x128xi32, #tpu.memory_space<hbm>>
        tpu.enqueue_dma source(%dma_start3A_95 : memref<8x128xi32, #tpu.memory_space<hbm>>) target(%dma_start3A_92 : memref<8x128xi32, #tpu.memory_space<vmem>>) target_semaphore(%run_scoped3A_84 : memref<!tpu.dma_semaphore, #tpu.memory_space<semaphore_mem>>)
        %dma_wait3A = arith.constant 152 : i32
        %dma_wait3A_96 = arith.constant 0 : i32
        %dma_wait3A_97 = tpu.memref_slice %arg6[%dma_wait3A, %dma_wait3A_96] : memref<160x128xi32, #tpu.memory_space<vmem>> -> memref<8x128xi32, #tpu.memory_space<vmem>>
        %dma_wait3A_98 = arith.constant 0 : i32
        %dma_wait3A_99 = tpu.memref_slice %arg4[%run_scoped3A_80, %add3A_79, %dma_wait3A_98] : memref<2x2500x128xi32, #tpu.memory_space<hbm>> -> memref<1x8x128xi32, #tpu.memory_space<hbm>>
        %dma_wait3A_100 = tpu.memref_squeeze %dma_wait3A_99 : memref<1x8x128xi32, #tpu.memory_space<hbm>> -> memref<8x128xi32, #tpu.memory_space<hbm>>
        %dma_wait3A_101 = arith.constant 152 : i32
        %dma_wait3A_102 = arith.constant 0 : i32
        %dma_wait3A_103 = tpu.memref_slice %arg6[%dma_wait3A_101, %dma_wait3A_102] : memref<160x128xi32, #tpu.memory_space<vmem>> -> memref<8x128xi32, #tpu.memory_space<vmem>>
        %dma_wait3A_104 = arith.constant 0 : i32
        %dma_wait3A_105 = tpu.memref_slice %arg4[%run_scoped3A_80, %add3A_79, %dma_wait3A_104] : memref<2x2500x128xi32, #tpu.memory_space<hbm>> -> memref<1x8x128xi32, #tpu.memory_space<hbm>>
        %dma_wait3A_106 = tpu.memref_squeeze %dma_wait3A_105 : memref<1x8x128xi32, #tpu.memory_space<hbm>> -> memref<8x128xi32, #tpu.memory_space<hbm>>
        tpu.wait_dma2 semaphore(%run_scoped3A_84 : memref<!tpu.dma_semaphore, #tpu.memory_space<semaphore_mem>>) src(%dma_wait3A_106 : memref<8x128xi32, #tpu.memory_space<hbm>>) dst(%dma_wait3A_103 : memref<8x128xi32, #tpu.memory_space<vmem>>)
        tpu.yield
      }) : () -> ()
      %add3A_81 = arith.constant 152 : i32
      %add3A_82 = arith.addi %add3A, %add3A_81 : i32
      %run_scoped3A_83 = arith.constant 1 : i32
      "tpu.region"() ({
        %run_scoped3A_84 = tpu.sem_alloc : memref<!tpu.dma_semaphore, #tpu.memory_space<semaphore_mem>>
        %dma_start3A = arith.constant 152 : i32
        %dma_start3A_85 = arith.constant 0 : i32
        %dma_start3A_86 = tpu.memref_slice %arg7[%dma_start3A, %dma_start3A_85] : memref<160x128xi32, #tpu.memory_space<vmem>> -> memref<8x128xi32, #tpu.memory_space<vmem>>
        %dma_start3A_87 = arith.constant 0 : i32
        %dma_start3A_88 = tpu.memref_slice %arg4[%run_scoped3A_83, %add3A_82, %dma_start3A_87] : memref<2x2500x128xi32, #tpu.memory_space<hbm>> -> memref<1x8x128xi32, #tpu.memory_space<hbm>>
        %dma_start3A_89 = tpu.memref_squeeze %dma_start3A_88 : memref<1x8x128xi32, #tpu.memory_space<hbm>> -> memref<8x128xi32, #tpu.memory_space<hbm>>
        %dma_start3A_90 = arith.constant 152 : i32
        %dma_start3A_91 = arith.constant 0 : i32
        %dma_start3A_92 = tpu.memref_slice %arg7[%dma_start3A_90, %dma_start3A_91] : memref<160x128xi32, #tpu.memory_space<vmem>> -> memref<8x128xi32, #tpu.memory_space<vmem>>
        %dma_start3A_93 = arith.constant 0 : i32
        %dma_start3A_94 = tpu.memref_slice %arg4[%run_scoped3A_83, %add3A_82, %dma_start3A_93] : memref<2x2500x128xi32, #tpu.memory_space<hbm>> -> memref<1x8x128xi32, #tpu.memory_space<hbm>>
        %dma_start3A_95 = tpu.memref_squeeze %dma_start3A_94 : memref<1x8x128xi32, #tpu.memory_space<hbm>> -> memref<8x128xi32, #tpu.memory_space<hbm>>
        tpu.enqueue_dma source(%dma_start3A_95 : memref<8x128xi32, #tpu.memory_space<hbm>>) target(%dma_start3A_92 : memref<8x128xi32, #tpu.memory_space<vmem>>) target_semaphore(%run_scoped3A_84 : memref<!tpu.dma_semaphore, #tpu.memory_space<semaphore_mem>>)
        %dma_wait3A = arith.constant 152 : i32
        %dma_wait3A_96 = arith.constant 0 : i32
        %dma_wait3A_97 = tpu.memref_slice %arg7[%dma_wait3A, %dma_wait3A_96] : memref<160x128xi32, #tpu.memory_space<vmem>> -> memref<8x128xi32, #tpu.memory_space<vmem>>
        %dma_wait3A_98 = arith.constant 0 : i32
        %dma_wait3A_99 = tpu.memref_slice %arg4[%run_scoped3A_83, %add3A_82, %dma_wait3A_98] : memref<2x2500x128xi32, #tpu.memory_space<hbm>> -> memref<1x8x128xi32, #tpu.memory_space<hbm>>
        %dma_wait3A_100 = tpu.memref_squeeze %dma_wait3A_99 : memref<1x8x128xi32, #tpu.memory_space<hbm>> -> memref<8x128xi32, #tpu.memory_space<hbm>>
        %dma_wait3A_101 = arith.constant 152 : i32
        %dma_wait3A_102 = arith.constant 0 : i32
        %dma_wait3A_103 = tpu.memref_slice %arg7[%dma_wait3A_101, %dma_wait3A_102] : memref<160x128xi32, #tpu.memory_space<vmem>> -> memref<8x128xi32, #tpu.memory_space<vmem>>
        %dma_wait3A_104 = arith.constant 0 : i32
        %dma_wait3A_105 = tpu.memref_slice %arg4[%run_scoped3A_83, %add3A_82, %dma_wait3A_104] : memref<2x2500x128xi32, #tpu.memory_space<hbm>> -> memref<1x8x128xi32, #tpu.memory_space<hbm>>
        %dma_wait3A_106 = tpu.memref_squeeze %dma_wait3A_105 : memref<1x8x128xi32, #tpu.memory_space<hbm>> -> memref<8x128xi32, #tpu.memory_space<hbm>>
        tpu.wait_dma2 semaphore(%run_scoped3A_84 : memref<!tpu.dma_semaphore, #tpu.memory_space<semaphore_mem>>) src(%dma_wait3A_106 : memref<8x128xi32, #tpu.memory_space<hbm>>) dst(%dma_wait3A_103 : memref<8x128xi32, #tpu.memory_space<vmem>>)
        tpu.yield
      }) : () -> ()
    } else {
    }
    %eq3A = arith.constant 15 : i32
    %eq3A_7 = arith.cmpi eq, %arg1, %eq3A : i32
    %convert_element_type3A_8 = arith.extui %eq3A_7 : i1 to i32
    %cond3A_9 = arith.constant 0 : i32
    %cond3A_10 = arith.cmpi ne, %convert_element_type3A_8, %cond3A_9 : i32
    scf.if %cond3A_10 {
      %add3A_78 = arith.constant 152 : i32
      %add3A_79 = arith.addi %add3A, %add3A_78 : i32
      %run_scoped3A_80 = arith.constant 0 : i32
      "tpu.region"() ({
        %run_scoped3A_84 = tpu.sem_alloc : memref<!tpu.dma_semaphore, #tpu.memory_space<semaphore_mem>>
        %dma_start3A = arith.constant 152 : i32
        %dma_start3A_85 = arith.constant 0 : i32
        %dma_start3A_86 = tpu.memref_slice %arg6[%dma_start3A, %dma_start3A_85] : memref<160x128xi32, #tpu.memory_space<vmem>> -> memref<4x128xi32, #tpu.memory_space<vmem>>
        %dma_start3A_87 = arith.constant 0 : i32
        %dma_start3A_88 = tpu.memref_slice %arg4[%run_scoped3A_80, %add3A_79, %dma_start3A_87] : memref<2x2500x128xi32, #tpu.memory_space<hbm>> -> memref<1x4x128xi32, #tpu.memory_space<hbm>>
        %dma_start3A_89 = tpu.memref_squeeze %dma_start3A_88 : memref<1x4x128xi32, #tpu.memory_space<hbm>> -> memref<4x128xi32, #tpu.memory_space<hbm>>
        %dma_start3A_90 = arith.constant 152 : i32
        %dma_start3A_91 = arith.constant 0 : i32
        %dma_start3A_92 = tpu.memref_slice %arg6[%dma_start3A_90, %dma_start3A_91] : memref<160x128xi32, #tpu.memory_space<vmem>> -> memref<4x128xi32, #tpu.memory_space<vmem>>
        %dma_start3A_93 = arith.constant 0 : i32
        %dma_start3A_94 = tpu.memref_slice %arg4[%run_scoped3A_80, %add3A_79, %dma_start3A_93] : memref<2x2500x128xi32, #tpu.memory_space<hbm>> -> memref<1x4x128xi32, #tpu.memory_space<hbm>>
        %dma_start3A_95 = tpu.memref_squeeze %dma_start3A_94 : memref<1x4x128xi32, #tpu.memory_space<hbm>> -> memref<4x128xi32, #tpu.memory_space<hbm>>
        tpu.enqueue_dma source(%dma_start3A_95 : memref<4x128xi32, #tpu.memory_space<hbm>>) target(%dma_start3A_92 : memref<4x128xi32, #tpu.memory_space<vmem>>) target_semaphore(%run_scoped3A_84 : memref<!tpu.dma_semaphore, #tpu.memory_space<semaphore_mem>>)
        %dma_wait3A = arith.constant 152 : i32
        %dma_wait3A_96 = arith.constant 0 : i32
        %dma_wait3A_97 = tpu.memref_slice %arg6[%dma_wait3A, %dma_wait3A_96] : memref<160x128xi32, #tpu.memory_space<vmem>> -> memref<4x128xi32, #tpu.memory_space<vmem>>
        %dma_wait3A_98 = arith.constant 0 : i32
        %dma_wait3A_99 = tpu.memref_slice %arg4[%run_scoped3A_80, %add3A_79, %dma_wait3A_98] : memref<2x2500x128xi32, #tpu.memory_space<hbm>> -> memref<1x4x128xi32, #tpu.memory_space<hbm>>
        %dma_wait3A_100 = tpu.memref_squeeze %dma_wait3A_99 : memref<1x4x128xi32, #tpu.memory_space<hbm>> -> memref<4x128xi32, #tpu.memory_space<hbm>>
        %dma_wait3A_101 = arith.constant 152 : i32
        %dma_wait3A_102 = arith.constant 0 : i32
        %dma_wait3A_103 = tpu.memref_slice %arg6[%dma_wait3A_101, %dma_wait3A_102] : memref<160x128xi32, #tpu.memory_space<vmem>> -> memref<4x128xi32, #tpu.memory_space<vmem>>
        %dma_wait3A_104 = arith.constant 0 : i32
        %dma_wait3A_105 = tpu.memref_slice %arg4[%run_scoped3A_80, %add3A_79, %dma_wait3A_104] : memref<2x2500x128xi32, #tpu.memory_space<hbm>> -> memref<1x4x128xi32, #tpu.memory_space<hbm>>
        %dma_wait3A_106 = tpu.memref_squeeze %dma_wait3A_105 : memref<1x4x128xi32, #tpu.memory_space<hbm>> -> memref<4x128xi32, #tpu.memory_space<hbm>>
        tpu.wait_dma2 semaphore(%run_scoped3A_84 : memref<!tpu.dma_semaphore, #tpu.memory_space<semaphore_mem>>) src(%dma_wait3A_106 : memref<4x128xi32, #tpu.memory_space<hbm>>) dst(%dma_wait3A_103 : memref<4x128xi32, #tpu.memory_space<vmem>>)
        tpu.yield
      }) : () -> ()
      %add3A_81 = arith.constant 152 : i32
      %add3A_82 = arith.addi %add3A, %add3A_81 : i32
      %run_scoped3A_83 = arith.constant 1 : i32
      "tpu.region"() ({
        %run_scoped3A_84 = tpu.sem_alloc : memref<!tpu.dma_semaphore, #tpu.memory_space<semaphore_mem>>
        %dma_start3A = arith.constant 152 : i32
        %dma_start3A_85 = arith.constant 0 : i32
        %dma_start3A_86 = tpu.memref_slice %arg7[%dma_start3A, %dma_start3A_85] : memref<160x128xi32, #tpu.memory_space<vmem>> -> memref<4x128xi32, #tpu.memory_space<vmem>>
        %dma_start3A_87 = arith.constant 0 : i32
        %dma_start3A_88 = tpu.memref_slice %arg4[%run_scoped3A_83, %add3A_82, %dma_start3A_87] : memref<2x2500x128xi32, #tpu.memory_space<hbm>> -> memref<1x4x128xi32, #tpu.memory_space<hbm>>
        %dma_start3A_89 = tpu.memref_squeeze %dma_start3A_88 : memref<1x4x128xi32, #tpu.memory_space<hbm>> -> memref<4x128xi32, #tpu.memory_space<hbm>>
        %dma_start3A_90 = arith.constant 152 : i32
        %dma_start3A_91 = arith.constant 0 : i32
        %dma_start3A_92 = tpu.memref_slice %arg7[%dma_start3A_90, %dma_start3A_91] : memref<160x128xi32, #tpu.memory_space<vmem>> -> memref<4x128xi32, #tpu.memory_space<vmem>>
        %dma_start3A_93 = arith.constant 0 : i32
        %dma_start3A_94 = tpu.memref_slice %arg4[%run_scoped3A_83, %add3A_82, %dma_start3A_93] : memref<2x2500x128xi32, #tpu.memory_space<hbm>> -> memref<1x4x128xi32, #tpu.memory_space<hbm>>
        %dma_start3A_95 = tpu.memref_squeeze %dma_start3A_94 : memref<1x4x128xi32, #tpu.memory_space<hbm>> -> memref<4x128xi32, #tpu.memory_space<hbm>>
        tpu.enqueue_dma source(%dma_start3A_95 : memref<4x128xi32, #tpu.memory_space<hbm>>) target(%dma_start3A_92 : memref<4x128xi32, #tpu.memory_space<vmem>>) target_semaphore(%run_scoped3A_84 : memref<!tpu.dma_semaphore, #tpu.memory_space<semaphore_mem>>)
        %dma_wait3A = arith.constant 152 : i32
        %dma_wait3A_96 = arith.constant 0 : i32
        %dma_wait3A_97 = tpu.memref_slice %arg7[%dma_wait3A, %dma_wait3A_96] : memref<160x128xi32, #tpu.memory_space<vmem>> -> memref<4x128xi32, #tpu.memory_space<vmem>>
        %dma_wait3A_98 = arith.constant 0 : i32
        %dma_wait3A_99 = tpu.memref_slice %arg4[%run_scoped3A_83, %add3A_82, %dma_wait3A_98] : memref<2x2500x128xi32, #tpu.memory_space<hbm>> -> memref<1x4x128xi32, #tpu.memory_space<hbm>>
        %dma_wait3A_100 = tpu.memref_squeeze %dma_wait3A_99 : memref<1x4x128xi32, #tpu.memory_space<hbm>> -> memref<4x128xi32, #tpu.memory_space<hbm>>
        %dma_wait3A_101 = arith.constant 152 : i32
        %dma_wait3A_102 = arith.constant 0 : i32
        %dma_wait3A_103 = tpu.memref_slice %arg7[%dma_wait3A_101, %dma_wait3A_102] : memref<160x128xi32, #tpu.memory_space<vmem>> -> memref<4x128xi32, #tpu.memory_space<vmem>>
        %dma_wait3A_104 = arith.constant 0 : i32
        %dma_wait3A_105 = tpu.memref_slice %arg4[%run_scoped3A_83, %add3A_82, %dma_wait3A_104] : memref<2x2500x128xi32, #tpu.memory_space<hbm>> -> memref<1x4x128xi32, #tpu.memory_space<hbm>>
        %dma_wait3A_106 = tpu.memref_squeeze %dma_wait3A_105 : memref<1x4x128xi32, #tpu.memory_space<hbm>> -> memref<4x128xi32, #tpu.memory_space<hbm>>
        tpu.wait_dma2 semaphore(%run_scoped3A_84 : memref<!tpu.dma_semaphore, #tpu.memory_space<semaphore_mem>>) src(%dma_wait3A_106 : memref<4x128xi32, #tpu.memory_space<hbm>>) dst(%dma_wait3A_103 : memref<4x128xi32, #tpu.memory_space<vmem>>)
        tpu.yield
      }) : () -> ()
    } else {
    }
    %lt3A_11 = arith.constant 8 : i32
    %lt3A_12 = arith.cmpi slt, %arg1, %lt3A_11 : i32
    %convert_element_type3A_13 = arith.extui %lt3A_12 : i1 to i32
    %mul3A_14 = arith.constant 8 : i32
    %mul3A_15 = arith.muli %mul3A_14, %convert_element_type3A_13 : i32
    %add3A_16 = arith.constant 152 : i32
    %add3A_17 = arith.addi %add3A_16, %mul3A_15 : i32
    %eq3A_18 = arith.constant 15 : i32
    %eq3A_19 = arith.cmpi eq, %arg1, %eq3A_18 : i32
    %convert_element_type3A_20 = arith.extui %eq3A_19 : i1 to i32
    %mul3A_21 = arith.constant 4 : i32
    %mul3A_22 = arith.muli %mul3A_21, %convert_element_type3A_20 : i32
    %add3A_23 = arith.addi %add3A_17, %mul3A_22 : i32
    %broadcast_in_dim3A = arith.constant 0.000000e+00 : f32
    %broadcast_in_dim3A_24 = vector.broadcast %broadcast_in_dim3A : f32 to vector<16xf32>
    %scan3A = arith.constant 0 : i32
    %scan3A_25 = arith.constant 0 : i32
    %scan3A_26 = arith.constant 128 : i32
    %scan3A_27 = arith.addi %scan3A_25, %scan3A_26 : i32
    %scan3A_28 = arith.constant 1 : i32
    scf.for %scan3A_78 = %scan3A_25 to %scan3A_27 step %scan3A_28  : i32 {
      %swap3A = arith.index_cast %scan3A_78 : i32 to index
      %swap3A_79 = arith.constant 0 : index
      %swap3A_80 = tpu.vector_load %arg8[%swap3A, %swap3A_79] {strides = array<i32>} : memref<128x64xf32, #tpu.memory_space<vmem>>, vector<1x16xf32>,
      %swap3A_81 = vector.shape_cast %swap3A_80 : vector<1x16xf32> to vector<16xf32>
      %swap3A_82 = vector.shape_cast %broadcast_in_dim3A_24 : vector<16xf32> to vector<1x16xf32>
      tpu.vector_store %arg8[%swap3A, %swap3A_79], %swap3A_82 {strides = array<i32>} : memref<128x64xf32, #tpu.memory_space<vmem>>, vector<1x16xf32>,
      %swap3A_83 = arith.index_cast %scan3A_78 : i32 to index
      %swap3A_84 = arith.constant 16 : index
      %swap3A_85 = tpu.vector_load %arg8[%swap3A_83, %swap3A_84] {strides = array<i32>} : memref<128x64xf32, #tpu.memory_space<vmem>>, vector<1x16xf32>,
      %swap3A_86 = vector.shape_cast %swap3A_85 : vector<1x16xf32> to vector<16xf32>
      %swap3A_87 = vector.shape_cast %broadcast_in_dim3A_24 : vector<16xf32> to vector<1x16xf32>
      tpu.vector_store %arg8[%swap3A_83, %swap3A_84], %swap3A_87 {strides = array<i32>} : memref<128x64xf32, #tpu.memory_space<vmem>>, vector<1x16xf32>,
      %swap3A_88 = arith.index_cast %scan3A_78 : i32 to index
      %swap3A_89 = arith.constant 32 : index
      %swap3A_90 = tpu.vector_load %arg8[%swap3A_88, %swap3A_89] {strides = array<i32>} : memref<128x64xf32, #tpu.memory_space<vmem>>, vector<1x16xf32>,
      %swap3A_91 = vector.shape_cast %swap3A_90 : vector<1x16xf32> to vector<16xf32>
      %swap3A_92 = vector.shape_cast %broadcast_in_dim3A_24 : vector<16xf32> to vector<1x16xf32>
      tpu.vector_store %arg8[%swap3A_88, %swap3A_89], %swap3A_92 {strides = array<i32>} : memref<128x64xf32, #tpu.memory_space<vmem>>, vector<1x16xf32>,
      %swap3A_93 = arith.index_cast %scan3A_78 : i32 to index
      %swap3A_94 = arith.constant 48 : index
      %swap3A_95 = tpu.vector_load %arg8[%swap3A_93, %swap3A_94] {strides = array<i32>} : memref<128x64xf32, #tpu.memory_space<vmem>>, vector<1x16xf32>,
      %swap3A_96 = vector.shape_cast %swap3A_95 : vector<1x16xf32> to vector<16xf32>
      %swap3A_97 = vector.shape_cast %broadcast_in_dim3A_24 : vector<16xf32> to vector<1x16xf32>
      tpu.vector_store %arg8[%swap3A_93, %swap3A_94], %swap3A_97 {strides = array<i32>} : memref<128x64xf32, #tpu.memory_space<vmem>>, vector<1x16xf32>,
    }
    %scan3A_29 = arith.constant 128 : i32
    %mul3A_30 = arith.constant 632 : i32
    %mul3A_31 = arith.muli %arg1, %mul3A_30 : i32
    %add3A_32 = arith.constant 0 : i32
    %add3A_33 = arith.addi %mul3A_31, %add3A_32 : i32
    "tpu.region"() ({
      %run_scoped3A_78 = tpu.sem_alloc : memref<!tpu.dma_semaphore, #tpu.memory_space<semaphore_mem>>
      %dma_start3A = arith.constant 0 : i32
      %dma_start3A_79 = tpu.memref_slice %arg10[%add3A_33, %dma_start3A] : memref<10112x64xf32, #tpu.memory_space<vmem_shared>> -> memref<128x64xf32, #tpu.memory_space<vmem_shared>>
      %dma_start3A_80 = arith.constant 0 : i32
      %dma_start3A_81 = tpu.memref_slice %arg10[%add3A_33, %dma_start3A_80] : memref<10112x64xf32, #tpu.memory_space<vmem_shared>> -> memref<128x64xf32, #tpu.memory_space<vmem_shared>>
      tpu.enqueue_dma source(%arg8 : memref<128x64xf32, #tpu.memory_space<vmem>>) target(%dma_start3A_81 : memref<128x64xf32, #tpu.memory_space<vmem_shared>>) target_semaphore(%run_scoped3A_78 : memref<!tpu.dma_semaphore, #tpu.memory_space<semaphore_mem>>)
      %dma_wait3A = arith.constant 0 : i32
      %dma_wait3A_82 = tpu.memref_slice %arg10[%add3A_33, %dma_wait3A] : memref<10112x64xf32, #tpu.memory_space<vmem_shared>> -> memref<128x64xf32, #tpu.memory_space<vmem_shared>>
      %dma_wait3A_83 = arith.constant 0 : i32
      %dma_wait3A_84 = tpu.memref_slice %arg10[%add3A_33, %dma_wait3A_83] : memref<10112x64xf32, #tpu.memory_space<vmem_shared>> -> memref<128x64xf32, #tpu.memory_space<vmem_shared>>
      tpu.wait_dma2 semaphore(%run_scoped3A_78 : memref<!tpu.dma_semaphore, #tpu.memory_space<semaphore_mem>>) src(%arg8 : memref<128x64xf32, #tpu.memory_space<vmem>>) dst(%dma_wait3A_84 : memref<128x64xf32, #tpu.memory_space<vmem_shared>>)
      tpu.yield
    }) : () -> ()
    %add3A_34 = arith.constant 128 : i32
    %add3A_35 = arith.addi %mul3A_31, %add3A_34 : i32
    "tpu.region"() ({
      %run_scoped3A_78 = tpu.sem_alloc : memref<!tpu.dma_semaphore, #tpu.memory_space<semaphore_mem>>
      %dma_start3A = arith.constant 0 : i32
      %dma_start3A_79 = tpu.memref_slice %arg10[%add3A_35, %dma_start3A] : memref<10112x64xf32, #tpu.memory_space<vmem_shared>> -> memref<128x64xf32, #tpu.memory_space<vmem_shared>>
      %dma_start3A_80 = arith.constant 0 : i32
      %dma_start3A_81 = tpu.memref_slice %arg10[%add3A_35, %dma_start3A_80] : memref<10112x64xf32, #tpu.memory_space<vmem_shared>> -> memref<128x64xf32, #tpu.memory_space<vmem_shared>>
      tpu.enqueue_dma source(%arg8 : memref<128x64xf32, #tpu.memory_space<vmem>>) target(%dma_start3A_81 : memref<128x64xf32, #tpu.memory_space<vmem_shared>>) target_semaphore(%run_scoped3A_78 : memref<!tpu.dma_semaphore, #tpu.memory_space<semaphore_mem>>)
      %dma_wait3A = arith.constant 0 : i32
      %dma_wait3A_82 = tpu.memref_slice %arg10[%add3A_35, %dma_wait3A] : memref<10112x64xf32, #tpu.memory_space<vmem_shared>> -> memref<128x64xf32, #tpu.memory_space<vmem_shared>>
      %dma_wait3A_83 = arith.constant 0 : i32
      %dma_wait3A_84 = tpu.memref_slice %arg10[%add3A_35, %dma_wait3A_83] : memref<10112x64xf32, #tpu.memory_space<vmem_shared>> -> memref<128x64xf32, #tpu.memory_space<vmem_shared>>
      tpu.wait_dma2 semaphore(%run_scoped3A_78 : memref<!tpu.dma_semaphore, #tpu.memory_space<semaphore_mem>>) src(%arg8 : memref<128x64xf32, #tpu.memory_space<vmem>>) dst(%dma_wait3A_84 : memref<128x64xf32, #tpu.memory_space<vmem_shared>>)
      tpu.yield
    }) : () -> ()
    %add3A_36 = arith.constant 256 : i32
    %add3A_37 = arith.addi %mul3A_31, %add3A_36 : i32
    "tpu.region"() ({
      %run_scoped3A_78 = tpu.sem_alloc : memref<!tpu.dma_semaphore, #tpu.memory_space<semaphore_mem>>
      %dma_start3A = arith.constant 0 : i32
      %dma_start3A_79 = tpu.memref_slice %arg10[%add3A_37, %dma_start3A] : memref<10112x64xf32, #tpu.memory_space<vmem_shared>> -> memref<128x64xf32, #tpu.memory_space<vmem_shared>>
      %dma_start3A_80 = arith.constant 0 : i32
      %dma_start3A_81 = tpu.memref_slice %arg10[%add3A_37, %dma_start3A_80] : memref<10112x64xf32, #tpu.memory_space<vmem_shared>> -> memref<128x64xf32, #tpu.memory_space<vmem_shared>>
      tpu.enqueue_dma source(%arg8 : memref<128x64xf32, #tpu.memory_space<vmem>>) target(%dma_start3A_81 : memref<128x64xf32, #tpu.memory_space<vmem_shared>>) target_semaphore(%run_scoped3A_78 : memref<!tpu.dma_semaphore, #tpu.memory_space<semaphore_mem>>)
      %dma_wait3A = arith.constant 0 : i32
      %dma_wait3A_82 = tpu.memref_slice %arg10[%add3A_37, %dma_wait3A] : memref<10112x64xf32, #tpu.memory_space<vmem_shared>> -> memref<128x64xf32, #tpu.memory_space<vmem_shared>>
      %dma_wait3A_83 = arith.constant 0 : i32
      %dma_wait3A_84 = tpu.memref_slice %arg10[%add3A_37, %dma_wait3A_83] : memref<10112x64xf32, #tpu.memory_space<vmem_shared>> -> memref<128x64xf32, #tpu.memory_space<vmem_shared>>
      tpu.wait_dma2 semaphore(%run_scoped3A_78 : memref<!tpu.dma_semaphore, #tpu.memory_space<semaphore_mem>>) src(%arg8 : memref<128x64xf32, #tpu.memory_space<vmem>>) dst(%dma_wait3A_84 : memref<128x64xf32, #tpu.memory_space<vmem_shared>>)
      tpu.yield
    }) : () -> ()
    %add3A_38 = arith.constant 384 : i32
    %add3A_39 = arith.addi %mul3A_31, %add3A_38 : i32
    "tpu.region"() ({
      %run_scoped3A_78 = tpu.sem_alloc : memref<!tpu.dma_semaphore, #tpu.memory_space<semaphore_mem>>
      %dma_start3A = arith.constant 0 : i32
      %dma_start3A_79 = tpu.memref_slice %arg10[%add3A_39, %dma_start3A] : memref<10112x64xf32, #tpu.memory_space<vmem_shared>> -> memref<128x64xf32, #tpu.memory_space<vmem_shared>>
      %dma_start3A_80 = arith.constant 0 : i32
      %dma_start3A_81 = tpu.memref_slice %arg10[%add3A_39, %dma_start3A_80] : memref<10112x64xf32, #tpu.memory_space<vmem_shared>> -> memref<128x64xf32, #tpu.memory_space<vmem_shared>>
      tpu.enqueue_dma source(%arg8 : memref<128x64xf32, #tpu.memory_space<vmem>>) target(%dma_start3A_81 : memref<128x64xf32, #tpu.memory_space<vmem_shared>>) target_semaphore(%run_scoped3A_78 : memref<!tpu.dma_semaphore, #tpu.memory_space<semaphore_mem>>)
      %dma_wait3A = arith.constant 0 : i32
      %dma_wait3A_82 = tpu.memref_slice %arg10[%add3A_39, %dma_wait3A] : memref<10112x64xf32, #tpu.memory_space<vmem_shared>> -> memref<128x64xf32, #tpu.memory_space<vmem_shared>>
      %dma_wait3A_83 = arith.constant 0 : i32
      %dma_wait3A_84 = tpu.memref_slice %arg10[%add3A_39, %dma_wait3A_83] : memref<10112x64xf32, #tpu.memory_space<vmem_shared>> -> memref<128x64xf32, #tpu.memory_space<vmem_shared>>
      tpu.wait_dma2 semaphore(%run_scoped3A_78 : memref<!tpu.dma_semaphore, #tpu.memory_space<semaphore_mem>>) src(%arg8 : memref<128x64xf32, #tpu.memory_space<vmem>>) dst(%dma_wait3A_84 : memref<128x64xf32, #tpu.memory_space<vmem_shared>>)
      tpu.yield
    }) : () -> ()
    %add3A_40 = arith.constant 512 : i32
    %add3A_41 = arith.addi %mul3A_31, %add3A_40 : i32
    "tpu.region"() ({
      %run_scoped3A_78 = tpu.sem_alloc : memref<!tpu.dma_semaphore, #tpu.memory_space<semaphore_mem>>
      %dma_start3A = arith.constant 0 : i32
      %dma_start3A_79 = arith.constant 0 : i32
      %dma_start3A_80 = tpu.memref_slice %arg8[%dma_start3A, %dma_start3A_79] : memref<128x64xf32, #tpu.memory_space<vmem>> -> memref<120x64xf32, #tpu.memory_space<vmem>>
      %dma_start3A_81 = arith.constant 0 : i32
      %dma_start3A_82 = tpu.memref_slice %arg10[%add3A_41, %dma_start3A_81] : memref<10112x64xf32, #tpu.memory_space<vmem_shared>> -> memref<120x64xf32, #tpu.memory_space<vmem_shared>>
      %dma_start3A_83 = arith.constant 0 : i32
      %dma_start3A_84 = tpu.memref_slice %arg10[%add3A_41, %dma_start3A_83] : memref<10112x64xf32, #tpu.memory_space<vmem_shared>> -> memref<120x64xf32, #tpu.memory_space<vmem_shared>>
      %dma_start3A_85 = arith.constant 0 : i32
      %dma_start3A_86 = arith.constant 0 : i32
      %dma_start3A_87 = tpu.memref_slice %arg8[%dma_start3A_85, %dma_start3A_86] : memref<128x64xf32, #tpu.memory_space<vmem>> -> memref<120x64xf32, #tpu.memory_space<vmem>>
      tpu.enqueue_dma source(%dma_start3A_87 : memref<120x64xf32, #tpu.memory_space<vmem>>) target(%dma_start3A_84 : memref<120x64xf32, #tpu.memory_space<vmem_shared>>) target_semaphore(%run_scoped3A_78 : memref<!tpu.dma_semaphore, #tpu.memory_space<semaphore_mem>>)
      %dma_wait3A = arith.constant 0 : i32
      %dma_wait3A_88 = arith.constant 0 : i32
      %dma_wait3A_89 = tpu.memref_slice %arg8[%dma_wait3A, %dma_wait3A_88] : memref<128x64xf32, #tpu.memory_space<vmem>> -> memref<120x64xf32, #tpu.memory_space<vmem>>
      %dma_wait3A_90 = arith.constant 0 : i32
      %dma_wait3A_91 = tpu.memref_slice %arg10[%add3A_41, %dma_wait3A_90] : memref<10112x64xf32, #tpu.memory_space<vmem_shared>> -> memref<120x64xf32, #tpu.memory_space<vmem_shared>>
      %dma_wait3A_92 = arith.constant 0 : i32
      %dma_wait3A_93 = tpu.memref_slice %arg10[%add3A_41, %dma_wait3A_92] : memref<10112x64xf32, #tpu.memory_space<vmem_shared>> -> memref<120x64xf32, #tpu.memory_space<vmem_shared>>
      %dma_wait3A_94 = arith.constant 0 : i32
      %dma_wait3A_95 = arith.constant 0 : i32
      %dma_wait3A_96 = tpu.memref_slice %arg8[%dma_wait3A_94, %dma_wait3A_95] : memref<128x64xf32, #tpu.memory_space<vmem>> -> memref<120x64xf32, #tpu.memory_space<vmem>>
      tpu.wait_dma2 semaphore(%run_scoped3A_78 : memref<!tpu.dma_semaphore, #tpu.memory_space<semaphore_mem>>) src(%dma_wait3A_96 : memref<120x64xf32, #tpu.memory_space<vmem>>) dst(%dma_wait3A_93 : memref<120x64xf32, #tpu.memory_space<vmem_shared>>)
      tpu.yield
    }) : () -> ()
    %barrier3A = arith.constant 0 : index
    tpu.barrier barrier_id(%barrier3A)
    %eq3A_42 = arith.constant 0 : i32
    %eq3A_43 = arith.cmpi eq, %arg0, %eq3A_42 : i32
    %convert_element_type3A_44 = arith.extui %eq3A_43 : i1 to i32
    %cond3A_45 = arith.constant 0 : i32
    %cond3A_46 = arith.cmpi ne, %convert_element_type3A_44, %cond3A_45 : i32
    scf.if %cond3A_46 {
      %dma_start3A = arith.constant 0 : i32
      %dma_start3A_78 = arith.constant 0 : i32
      %dma_start3A_79 = tpu.memref_slice %arg6[%dma_start3A, %dma_start3A_78] : memref<160x128xi32, #tpu.memory_space<vmem>> -> memref<1x128xi32, #tpu.memory_space<vmem>>
      %dma_start3A_80 = tpu.memref_squeeze %dma_start3A_79 : memref<1x128xi32, #tpu.memory_space<vmem>> -> memref<128xi32, #tpu.memory_space<vmem>>
      %dma_start3A_81 = arith.constant 0 : i32
      %dma_start3A_82 = arith.constant 0 : i32
      %dma_start3A_83 = tpu.memref_slice %arg2[%dma_start3A_81, %dma_start3A_82] : memref<10000x64xf32, #tpu.memory_space<hbm>> -> memref<10000x64xf32, #tpu.memory_space<hbm>>
      tpu.enqueue_indirect_dma source(%dma_start3A_83 : memref<10000x64xf32, #tpu.memory_space<hbm>>) target(%arg8 : memref<128x64xf32, #tpu.memory_space<vmem>>) offsets(%dma_start3A_80 : memref<128xi32, #tpu.memory_space<vmem>>) semaphore(%arg11 : memref<!tpu.dma_semaphore, #tpu.memory_space<semaphore_mem>>)
    } else {
    }
    %eq3A_47 = arith.constant 1 : i32
    %eq3A_48 = arith.cmpi eq, %arg0, %eq3A_47 : i32
    %convert_element_type3A_49 = arith.extui %eq3A_48 : i1 to i32
    %cond3A_50 = arith.constant 0 : i32
    %cond3A_51 = arith.cmpi ne, %convert_element_type3A_49, %cond3A_50 : i32
    scf.if %cond3A_51 {
      %dma_start3A = arith.constant 0 : i32
      %dma_start3A_78 = arith.constant 0 : i32
      %dma_start3A_79 = tpu.memref_slice %arg6[%dma_start3A, %dma_start3A_78] : memref<160x128xi32, #tpu.memory_space<vmem>> -> memref<1x128xi32, #tpu.memory_space<vmem>>
      %dma_start3A_80 = tpu.memref_squeeze %dma_start3A_79 : memref<1x128xi32, #tpu.memory_space<vmem>> -> memref<128xi32, #tpu.memory_space<vmem>>
      %dma_start3A_81 = arith.constant 0 : i32
      %dma_start3A_82 = arith.constant 0 : i32
      %dma_start3A_83 = tpu.memref_slice %arg3[%dma_start3A_81, %dma_start3A_82] : memref<10000x64xf32, #tpu.memory_space<hbm>> -> memref<10000x64xf32, #tpu.memory_space<hbm>>
      tpu.enqueue_indirect_dma source(%dma_start3A_83 : memref<10000x64xf32, #tpu.memory_space<hbm>>) target(%arg8 : memref<128x64xf32, #tpu.memory_space<vmem>>) offsets(%dma_start3A_80 : memref<128xi32, #tpu.memory_space<vmem>>) semaphore(%arg11 : memref<!tpu.dma_semaphore, #tpu.memory_space<semaphore_mem>>)
    } else {
    }
    %jit3A = arith.constant 2 : i32
    %div3A = arith.divsi %add3A_23, %jit3A : i32
    %sign3A = arith.constant 0 : i32
    %sign3A_52 = arith.cmpi sgt, %add3A_23, %sign3A : i32
    %sign3A_53 = arith.extui %sign3A_52 : i1 to i32
    %sign3A_54 = arith.constant 0 : i32
    %sign3A_55 = arith.cmpi slt, %add3A_23, %sign3A_54 : i32
    %sign3A_56 = arith.extui %sign3A_55 : i1 to i32
    %sign3A_57 = arith.subi %sign3A_53, %sign3A_56 : i32
    %sign3A_58 = arith.constant 0 : i32
    %sign3A_59 = arith.cmpi sgt, %jit3A, %sign3A_58 : i32
    %sign3A_60 = arith.extui %sign3A_59 : i1 to i32
    %sign3A_61 = arith.constant 0 : i32
    %sign3A_62 = arith.cmpi slt, %jit3A, %sign3A_61 : i32
    %sign3A_63 = arith.extui %sign3A_62 : i1 to i32
    %sign3A_64 = arith.subi %sign3A_60, %sign3A_63 : i32
    %ne3A = arith.cmpi ne, %sign3A_57, %sign3A_64 : i32
    %rem3A = arith.remsi %add3A_23, %jit3A : i32
    %ne3A_65 = arith.constant 0 : i32
    %ne3A_66 = arith.cmpi ne, %rem3A, %ne3A_65 : i32
    %and3A = arith.andi %ne3A, %ne3A_66 : i1
    %sub3A = arith.constant 1 : i32
    %sub3A_67 = arith.subi %div3A, %sub3A : i32
    %select_n3A = arith.select %and3A, %sub3A_67, %div3A : i32
    %while3A = arith.constant 0 : i32
    %while3A_68 = arith.constant 0 : i32
    %while3A_69 = arith.subi %select_n3A, %while3A_68 : i32
    %while3A_70 = arith.addi %while3A_68, %while3A_69 : i32
    %while3A_71 = arith.constant 1 : i32
    %while3A_72 = arith.divsi %while3A_69, %while3A_71 : i32
    %while3A_73 = arith.muli %while3A_72, %while3A_71 : i32
    %while3A_74 = arith.addi %while3A_68, %while3A_73 : i32
    %while3A_75 = arith.constant 1 : i32
    scf.for %while3A_78 = %while3A_68 to %while3A_74 step %while3A_75  : i32 {
      %mul3A_79 = arith.constant 2 : i32
      %mul3A_80 = arith.muli %mul3A_79, %while3A_78 : i32
      %add3A_81 = arith.constant 1 : i32
      %add3A_82 = arith.addi %mul3A_80, %add3A_81 : i32
      %eq3A_83 = arith.constant 0 : i32
      %eq3A_84 = arith.cmpi eq, %arg0, %eq3A_83 : i32
      %convert_element_type3A_85 = arith.extui %eq3A_84 : i1 to i32
      %cond3A_86 = arith.constant 0 : i32
      %cond3A_87 = arith.cmpi ne, %convert_element_type3A_85, %cond3A_86 : i32
      scf.if %cond3A_87 {
        %dma_start3A = arith.constant 0 : i32
        %dma_start3A_112 = tpu.memref_slice %arg6[%add3A_82, %dma_start3A] : memref<160x128xi32, #tpu.memory_space<vmem>> -> memref<1x128xi32, #tpu.memory_space<vmem>>
        %dma_start3A_113 = tpu.memref_squeeze %dma_start3A_112 : memref<1x128xi32, #tpu.memory_space<vmem>> -> memref<128xi32, #tpu.memory_space<vmem>>
        %dma_start3A_114 = arith.constant 0 : i32
        %dma_start3A_115 = arith.constant 0 : i32
        %dma_start3A_116 = tpu.memref_slice %arg2[%dma_start3A_114, %dma_start3A_115] : memref<10000x64xf32, #tpu.memory_space<hbm>> -> memref<10000x64xf32, #tpu.memory_space<hbm>>
        tpu.enqueue_indirect_dma source(%dma_start3A_116 : memref<10000x64xf32, #tpu.memory_space<hbm>>) target(%arg9 : memref<128x64xf32, #tpu.memory_space<vmem>>) offsets(%dma_start3A_113 : memref<128xi32, #tpu.memory_space<vmem>>) semaphore(%arg12 : memref<!tpu.dma_semaphore, #tpu.memory_space<semaphore_mem>>)
      } else {
      }
      %eq3A_88 = arith.constant 1 : i32
      %eq3A_89 = arith.cmpi eq, %arg0, %eq3A_88 : i32
      %convert_element_type3A_90 = arith.extui %eq3A_89 : i1 to i32
      %cond3A_91 = arith.constant 0 : i32
      %cond3A_92 = arith.cmpi ne, %convert_element_type3A_90, %cond3A_91 : i32
      scf.if %cond3A_92 {
        %dma_start3A = arith.constant 0 : i32
        %dma_start3A_112 = tpu.memref_slice %arg6[%add3A_82, %dma_start3A] : memref<160x128xi32, #tpu.memory_space<vmem>> -> memref<1x128xi32, #tpu.memory_space<vmem>>
        %dma_start3A_113 = tpu.memref_squeeze %dma_start3A_112 : memref<1x128xi32, #tpu.memory_space<vmem>> -> memref<128xi32, #tpu.memory_space<vmem>>
        %dma_start3A_114 = arith.constant 0 : i32
        %dma_start3A_115 = arith.constant 0 : i32
        %dma_start3A_116 = tpu.memref_slice %arg3[%dma_start3A_114, %dma_start3A_115] : memref<10000x64xf32, #tpu.memory_space<hbm>> -> memref<10000x64xf32, #tpu.memory_space<hbm>>
        tpu.enqueue_indirect_dma source(%dma_start3A_116 : memref<10000x64xf32, #tpu.memory_space<hbm>>) target(%arg9 : memref<128x64xf32, #tpu.memory_space<vmem>>) offsets(%dma_start3A_113 : memref<128xi32, #tpu.memory_space<vmem>>) semaphore(%arg12 : memref<!tpu.dma_semaphore, #tpu.memory_space<semaphore_mem>>)
      } else {
      }
      %dma_wait3A = arith.constant 0 : i32
      %dma_wait3A_93 = arith.constant 0 : i32
      %dma_wait3A_94 = tpu.memref_slice %arg2[%dma_wait3A, %dma_wait3A_93] : memref<10000x64xf32, #tpu.memory_space<hbm>> -> memref<128x64xf32, #tpu.memory_space<hbm>>
      %dma_wait3A_95 = arith.constant 0 : i32
      %dma_wait3A_96 = arith.constant 0 : i32
      %dma_wait3A_97 = tpu.memref_slice %arg2[%dma_wait3A_95, %dma_wait3A_96] : memref<10000x64xf32, #tpu.memory_space<hbm>> -> memref<128x64xf32, #tpu.memory_space<hbm>>
      tpu.wait_dma2 semaphore(%arg11 : memref<!tpu.dma_semaphore, #tpu.memory_space<semaphore_mem>>) src(%dma_wait3A_97 : memref<128x64xf32, #tpu.memory_space<hbm>>) dst(%arg8 : memref<128x64xf32, #tpu.memory_space<vmem>>)
      "tpu.region"() ({
        %run_scoped3A_112 = tpu.sem_alloc : memref<!tpu.dma_semaphore, #tpu.memory_space<semaphore_mem>>
        %dma_start3A = arith.constant 0 : i32
        %dma_start3A_113 = tpu.memref_slice %arg7[%mul3A_80, %dma_start3A] : memref<160x128xi32, #tpu.memory_space<vmem>> -> memref<1x128xi32, #tpu.memory_space<vmem>>
        %dma_start3A_114 = tpu.memref_squeeze %dma_start3A_113 : memref<1x128xi32, #tpu.memory_space<vmem>> -> memref<128xi32, #tpu.memory_space<vmem>>
        %dma_start3A_115 = arith.constant 0 : i32
        %dma_start3A_116 = arith.constant 0 : i32
        %dma_start3A_117 = tpu.memref_slice %arg10[%dma_start3A_115, %dma_start3A_116] : memref<10112x64xf32, #tpu.memory_space<vmem_shared>> -> memref<10112x64xf32, #tpu.memory_space<vmem_shared>>
        tpu.enqueue_indirect_dma source(%arg8 : memref<128x64xf32, #tpu.memory_space<vmem>>) target(%dma_start3A_117 : memref<10112x64xf32, #tpu.memory_space<vmem_shared>>) offsets(%dma_start3A_114 : memref<128xi32, #tpu.memory_space<vmem>>) semaphore(%run_scoped3A_112 : memref<!tpu.dma_semaphore, #tpu.memory_space<semaphore_mem>>) {add = true}
        %dma_wait3A_118 = arith.constant 0 : i32
        %dma_wait3A_119 = tpu.memref_slice %arg7[%mul3A_80, %dma_wait3A_118] : memref<160x128xi32, #tpu.memory_space<vmem>> -> memref<1x128xi32, #tpu.memory_space<vmem>>
        %dma_wait3A_120 = tpu.memref_squeeze %dma_wait3A_119 : memref<1x128xi32, #tpu.memory_space<vmem>> -> memref<128xi32, #tpu.memory_space<vmem>>
        %dma_wait3A_121 = arith.constant 0 : i32
        %dma_wait3A_122 = arith.constant 0 : i32
        %dma_wait3A_123 = tpu.memref_slice %arg10[%dma_wait3A_121, %dma_wait3A_122] : memref<10112x64xf32, #tpu.memory_space<vmem_shared>> -> memref<10112x64xf32, #tpu.memory_space<vmem_shared>>
        tpu.wait_indirect_dma semaphore(%run_scoped3A_112 : memref<!tpu.dma_semaphore, #tpu.memory_space<semaphore_mem>>) src(%arg8 : memref<128x64xf32, #tpu.memory_space<vmem>>) dst(%dma_wait3A_123 : memref<10112x64xf32, #tpu.memory_space<vmem_shared>>)
        tpu.yield
      }) : () -> ()
      %add3A_98 = arith.constant 2 : i32
      %add3A_99 = arith.addi %mul3A_80, %add3A_98 : i32
      %lt3A_100 = arith.cmpi slt, %add3A_99, %add3A_23 : i32
      %convert_element_type3A_101 = arith.extui %lt3A_100 : i1 to i32
      %cond3A_102 = arith.constant 0 : i32
      %cond3A_103 = arith.cmpi ne, %convert_element_type3A_101, %cond3A_102 : i32
      scf.if %cond3A_103 {
        %add3A_112 = arith.constant 2 : i32
        %add3A_113 = arith.addi %mul3A_80, %add3A_112 : i32
        %eq3A_114 = arith.constant 0 : i32
        %eq3A_115 = arith.cmpi eq, %arg0, %eq3A_114 : i32
        %convert_element_type3A_116 = arith.extui %eq3A_115 : i1 to i32
        %cond3A_117 = arith.constant 0 : i32
        %cond3A_118 = arith.cmpi ne, %convert_element_type3A_116, %cond3A_117 : i32
        scf.if %cond3A_118 {
          %dma_start3A = arith.constant 0 : i32
          %dma_start3A_124 = tpu.memref_slice %arg6[%add3A_113, %dma_start3A] : memref<160x128xi32, #tpu.memory_space<vmem>> -> memref<1x128xi32, #tpu.memory_space<vmem>>
          %dma_start3A_125 = tpu.memref_squeeze %dma_start3A_124 : memref<1x128xi32, #tpu.memory_space<vmem>> -> memref<128xi32, #tpu.memory_space<vmem>>
          %dma_start3A_126 = arith.constant 0 : i32
          %dma_start3A_127 = arith.constant 0 : i32
          %dma_start3A_128 = tpu.memref_slice %arg2[%dma_start3A_126, %dma_start3A_127] : memref<10000x64xf32, #tpu.memory_space<hbm>> -> memref<10000x64xf32, #tpu.memory_space<hbm>>
          tpu.enqueue_indirect_dma source(%dma_start3A_128 : memref<10000x64xf32, #tpu.memory_space<hbm>>) target(%arg8 : memref<128x64xf32, #tpu.memory_space<vmem>>) offsets(%dma_start3A_125 : memref<128xi32, #tpu.memory_space<vmem>>) semaphore(%arg11 : memref<!tpu.dma_semaphore, #tpu.memory_space<semaphore_mem>>)
        } else {
        }
        %eq3A_119 = arith.constant 1 : i32
        %eq3A_120 = arith.cmpi eq, %arg0, %eq3A_119 : i32
        %convert_element_type3A_121 = arith.extui %eq3A_120 : i1 to i32
        %cond3A_122 = arith.constant 0 : i32
        %cond3A_123 = arith.cmpi ne, %convert_element_type3A_121, %cond3A_122 : i32
        scf.if %cond3A_123 {
          %dma_start3A = arith.constant 0 : i32
          %dma_start3A_124 = tpu.memref_slice %arg6[%add3A_113, %dma_start3A] : memref<160x128xi32, #tpu.memory_space<vmem>> -> memref<1x128xi32, #tpu.memory_space<vmem>>
          %dma_start3A_125 = tpu.memref_squeeze %dma_start3A_124 : memref<1x128xi32, #tpu.memory_space<vmem>> -> memref<128xi32, #tpu.memory_space<vmem>>
          %dma_start3A_126 = arith.constant 0 : i32
          %dma_start3A_127 = arith.constant 0 : i32
          %dma_start3A_128 = tpu.memref_slice %arg3[%dma_start3A_126, %dma_start3A_127] : memref<10000x64xf32, #tpu.memory_space<hbm>> -> memref<10000x64xf32, #tpu.memory_space<hbm>>
          tpu.enqueue_indirect_dma source(%dma_start3A_128 : memref<10000x64xf32, #tpu.memory_space<hbm>>) target(%arg8 : memref<128x64xf32, #tpu.memory_space<vmem>>) offsets(%dma_start3A_125 : memref<128xi32, #tpu.memory_space<vmem>>) semaphore(%arg11 : memref<!tpu.dma_semaphore, #tpu.memory_space<semaphore_mem>>)
        } else {
        }
      } else {
      }
      %dma_wait3A_104 = arith.constant 0 : i32
      %dma_wait3A_105 = arith.constant 0 : i32
      %dma_wait3A_106 = tpu.memref_slice %arg2[%dma_wait3A_104, %dma_wait3A_105] : memref<10000x64xf32, #tpu.memory_space<hbm>> -> memref<128x64xf32, #tpu.memory_space<hbm>>
      %dma_wait3A_107 = arith.constant 0 : i32
      %dma_wait3A_108 = arith.constant 0 : i32
      %dma_wait3A_109 = tpu.memref_slice %arg2[%dma_wait3A_107, %dma_wait3A_108] : memref<10000x64xf32, #tpu.memory_space<hbm>> -> memref<128x64xf32, #tpu.memory_space<hbm>>
      tpu.wait_dma2 semaphore(%arg12 : memref<!tpu.dma_semaphore, #tpu.memory_space<semaphore_mem>>) src(%dma_wait3A_109 : memref<128x64xf32, #tpu.memory_space<hbm>>) dst(%arg9 : memref<128x64xf32, #tpu.memory_space<vmem>>)
      %add3A_110 = arith.constant 1 : i32
      %add3A_111 = arith.addi %mul3A_80, %add3A_110 : i32
      "tpu.region"() ({
        %run_scoped3A_112 = tpu.sem_alloc : memref<!tpu.dma_semaphore, #tpu.memory_space<semaphore_mem>>
        %dma_start3A = arith.constant 0 : i32
        %dma_start3A_113 = tpu.memref_slice %arg7[%add3A_111, %dma_start3A] : memref<160x128xi32, #tpu.memory_space<vmem>> -> memref<1x128xi32, #tpu.memory_space<vmem>>
        %dma_start3A_114 = tpu.memref_squeeze %dma_start3A_113 : memref<1x128xi32, #tpu.memory_space<vmem>> -> memref<128xi32, #tpu.memory_space<vmem>>
        %dma_start3A_115 = arith.constant 0 : i32
        %dma_start3A_116 = arith.constant 0 : i32
        %dma_start3A_117 = tpu.memref_slice %arg10[%dma_start3A_115, %dma_start3A_116] : memref<10112x64xf32, #tpu.memory_space<vmem_shared>> -> memref<10112x64xf32, #tpu.memory_space<vmem_shared>>
        tpu.enqueue_indirect_dma source(%arg9 : memref<128x64xf32, #tpu.memory_space<vmem>>) target(%dma_start3A_117 : memref<10112x64xf32, #tpu.memory_space<vmem_shared>>) offsets(%dma_start3A_114 : memref<128xi32, #tpu.memory_space<vmem>>) semaphore(%run_scoped3A_112 : memref<!tpu.dma_semaphore, #tpu.memory_space<semaphore_mem>>) {add = true}
        %dma_wait3A_118 = arith.constant 0 : i32
        %dma_wait3A_119 = tpu.memref_slice %arg7[%add3A_111, %dma_wait3A_118] : memref<160x128xi32, #tpu.memory_space<vmem>> -> memref<1x128xi32, #tpu.memory_space<vmem>>
        %dma_wait3A_120 = tpu.memref_squeeze %dma_wait3A_119 : memref<1x128xi32, #tpu.memory_space<vmem>> -> memref<128xi32, #tpu.memory_space<vmem>>
        %dma_wait3A_121 = arith.constant 0 : i32
        %dma_wait3A_122 = arith.constant 0 : i32
        %dma_wait3A_123 = tpu.memref_slice %arg10[%dma_wait3A_121, %dma_wait3A_122] : memref<10112x64xf32, #tpu.memory_space<vmem_shared>> -> memref<10112x64xf32, #tpu.memory_space<vmem_shared>>
        tpu.wait_indirect_dma semaphore(%run_scoped3A_112 : memref<!tpu.dma_semaphore, #tpu.memory_space<semaphore_mem>>) src(%arg9 : memref<128x64xf32, #tpu.memory_space<vmem>>) dst(%dma_wait3A_123 : memref<10112x64xf32, #tpu.memory_space<vmem_shared>>)
        tpu.yield
      }) : () -> ()
    }
    %while3A_76 = arith.constant 1 : i32
    scf.for %while3A_78 = %while3A_74 to %while3A_70 step %while3A_76  : i32 {
      %mul3A_79 = arith.constant 2 : i32
      %mul3A_80 = arith.muli %mul3A_79, %while3A_78 : i32
      %add3A_81 = arith.constant 1 : i32
      %add3A_82 = arith.addi %mul3A_80, %add3A_81 : i32
      %eq3A_83 = arith.constant 0 : i32
      %eq3A_84 = arith.cmpi eq, %arg0, %eq3A_83 : i32
      %convert_element_type3A_85 = arith.extui %eq3A_84 : i1 to i32
      %cond3A_86 = arith.constant 0 : i32
      %cond3A_87 = arith.cmpi ne, %convert_element_type3A_85, %cond3A_86 : i32
      scf.if %cond3A_87 {
        %dma_start3A = arith.constant 0 : i32
        %dma_start3A_112 = tpu.memref_slice %arg6[%add3A_82, %dma_start3A] : memref<160x128xi32, #tpu.memory_space<vmem>> -> memref<1x128xi32, #tpu.memory_space<vmem>>
        %dma_start3A_113 = tpu.memref_squeeze %dma_start3A_112 : memref<1x128xi32, #tpu.memory_space<vmem>> -> memref<128xi32, #tpu.memory_space<vmem>>
        %dma_start3A_114 = arith.constant 0 : i32
        %dma_start3A_115 = arith.constant 0 : i32
        %dma_start3A_116 = tpu.memref_slice %arg2[%dma_start3A_114, %dma_start3A_115] : memref<10000x64xf32, #tpu.memory_space<hbm>> -> memref<10000x64xf32, #tpu.memory_space<hbm>>
        tpu.enqueue_indirect_dma source(%dma_start3A_116 : memref<10000x64xf32, #tpu.memory_space<hbm>>) target(%arg9 : memref<128x64xf32, #tpu.memory_space<vmem>>) offsets(%dma_start3A_113 : memref<128xi32, #tpu.memory_space<vmem>>) semaphore(%arg12 : memref<!tpu.dma_semaphore, #tpu.memory_space<semaphore_mem>>)
      } else {
      }
      %eq3A_88 = arith.constant 1 : i32
      %eq3A_89 = arith.cmpi eq, %arg0, %eq3A_88 : i32
      %convert_element_type3A_90 = arith.extui %eq3A_89 : i1 to i32
      %cond3A_91 = arith.constant 0 : i32
      %cond3A_92 = arith.cmpi ne, %convert_element_type3A_90, %cond3A_91 : i32
      scf.if %cond3A_92 {
        %dma_start3A = arith.constant 0 : i32
        %dma_start3A_112 = tpu.memref_slice %arg6[%add3A_82, %dma_start3A] : memref<160x128xi32, #tpu.memory_space<vmem>> -> memref<1x128xi32, #tpu.memory_space<vmem>>
        %dma_start3A_113 = tpu.memref_squeeze %dma_start3A_112 : memref<1x128xi32, #tpu.memory_space<vmem>> -> memref<128xi32, #tpu.memory_space<vmem>>
        %dma_start3A_114 = arith.constant 0 : i32
        %dma_start3A_115 = arith.constant 0 : i32
        %dma_start3A_116 = tpu.memref_slice %arg3[%dma_start3A_114, %dma_start3A_115] : memref<10000x64xf32, #tpu.memory_space<hbm>> -> memref<10000x64xf32, #tpu.memory_space<hbm>>
        tpu.enqueue_indirect_dma source(%dma_start3A_116 : memref<10000x64xf32, #tpu.memory_space<hbm>>) target(%arg9 : memref<128x64xf32, #tpu.memory_space<vmem>>) offsets(%dma_start3A_113 : memref<128xi32, #tpu.memory_space<vmem>>) semaphore(%arg12 : memref<!tpu.dma_semaphore, #tpu.memory_space<semaphore_mem>>)
      } else {
      }
      %dma_wait3A = arith.constant 0 : i32
      %dma_wait3A_93 = arith.constant 0 : i32
      %dma_wait3A_94 = tpu.memref_slice %arg2[%dma_wait3A, %dma_wait3A_93] : memref<10000x64xf32, #tpu.memory_space<hbm>> -> memref<128x64xf32, #tpu.memory_space<hbm>>
      %dma_wait3A_95 = arith.constant 0 : i32
      %dma_wait3A_96 = arith.constant 0 : i32
      %dma_wait3A_97 = tpu.memref_slice %arg2[%dma_wait3A_95, %dma_wait3A_96] : memref<10000x64xf32, #tpu.memory_space<hbm>> -> memref<128x64xf32, #tpu.memory_space<hbm>>
      tpu.wait_dma2 semaphore(%arg11 : memref<!tpu.dma_semaphore, #tpu.memory_space<semaphore_mem>>) src(%dma_wait3A_97 : memref<128x64xf32, #tpu.memory_space<hbm>>) dst(%arg8 : memref<128x64xf32, #tpu.memory_space<vmem>>)
      "tpu.region"() ({
        %run_scoped3A_112 = tpu.sem_alloc : memref<!tpu.dma_semaphore, #tpu.memory_space<semaphore_mem>>
        %dma_start3A = arith.constant 0 : i32
        %dma_start3A_113 = tpu.memref_slice %arg7[%mul3A_80, %dma_start3A] : memref<160x128xi32, #tpu.memory_space<vmem>> -> memref<1x128xi32, #tpu.memory_space<vmem>>
        %dma_start3A_114 = tpu.memref_squeeze %dma_start3A_113 : memref<1x128xi32, #tpu.memory_space<vmem>> -> memref<128xi32, #tpu.memory_space<vmem>>
        %dma_start3A_115 = arith.constant 0 : i32
        %dma_start3A_116 = arith.constant 0 : i32
        %dma_start3A_117 = tpu.memref_slice %arg10[%dma_start3A_115, %dma_start3A_116] : memref<10112x64xf32, #tpu.memory_space<vmem_shared>> -> memref<10112x64xf32, #tpu.memory_space<vmem_shared>>
        tpu.enqueue_indirect_dma source(%arg8 : memref<128x64xf32, #tpu.memory_space<vmem>>) target(%dma_start3A_117 : memref<10112x64xf32, #tpu.memory_space<vmem_shared>>) offsets(%dma_start3A_114 : memref<128xi32, #tpu.memory_space<vmem>>) semaphore(%run_scoped3A_112 : memref<!tpu.dma_semaphore, #tpu.memory_space<semaphore_mem>>) {add = true}
        %dma_wait3A_118 = arith.constant 0 : i32
        %dma_wait3A_119 = tpu.memref_slice %arg7[%mul3A_80, %dma_wait3A_118] : memref<160x128xi32, #tpu.memory_space<vmem>> -> memref<1x128xi32, #tpu.memory_space<vmem>>
        %dma_wait3A_120 = tpu.memref_squeeze %dma_wait3A_119 : memref<1x128xi32, #tpu.memory_space<vmem>> -> memref<128xi32, #tpu.memory_space<vmem>>
        %dma_wait3A_121 = arith.constant 0 : i32
        %dma_wait3A_122 = arith.constant 0 : i32
        %dma_wait3A_123 = tpu.memref_slice %arg10[%dma_wait3A_121, %dma_wait3A_122] : memref<10112x64xf32, #tpu.memory_space<vmem_shared>> -> memref<10112x64xf32, #tpu.memory_space<vmem_shared>>
        tpu.wait_indirect_dma semaphore(%run_scoped3A_112 : memref<!tpu.dma_semaphore, #tpu.memory_space<semaphore_mem>>) src(%arg8 : memref<128x64xf32, #tpu.memory_space<vmem>>) dst(%dma_wait3A_123 : memref<10112x64xf32, #tpu.memory_space<vmem_shared>>)
        tpu.yield
      }) : () -> ()
      %add3A_98 = arith.constant 2 : i32
      %add3A_99 = arith.addi %mul3A_80, %add3A_98 : i32
      %lt3A_100 = arith.cmpi slt, %add3A_99, %add3A_23 : i32
      %convert_element_type3A_101 = arith.extui %lt3A_100 : i1 to i32
      %cond3A_102 = arith.constant 0 : i32
      %cond3A_103 = arith.cmpi ne, %convert_element_type3A_101, %cond3A_102 : i32
      scf.if %cond3A_103 {
        %add3A_112 = arith.constant 2 : i32
        %add3A_113 = arith.addi %mul3A_80, %add3A_112 : i32
        %eq3A_114 = arith.constant 0 : i32
        %eq3A_115 = arith.cmpi eq, %arg0, %eq3A_114 : i32
        %convert_element_type3A_116 = arith.extui %eq3A_115 : i1 to i32
        %cond3A_117 = arith.constant 0 : i32
        %cond3A_118 = arith.cmpi ne, %convert_element_type3A_116, %cond3A_117 : i32
        scf.if %cond3A_118 {
          %dma_start3A = arith.constant 0 : i32
          %dma_start3A_124 = tpu.memref_slice %arg6[%add3A_113, %dma_start3A] : memref<160x128xi32, #tpu.memory_space<vmem>> -> memref<1x128xi32, #tpu.memory_space<vmem>>
          %dma_start3A_125 = tpu.memref_squeeze %dma_start3A_124 : memref<1x128xi32, #tpu.memory_space<vmem>> -> memref<128xi32, #tpu.memory_space<vmem>>
          %dma_start3A_126 = arith.constant 0 : i32
          %dma_start3A_127 = arith.constant 0 : i32
          %dma_start3A_128 = tpu.memref_slice %arg2[%dma_start3A_126, %dma_start3A_127] : memref<10000x64xf32, #tpu.memory_space<hbm>> -> memref<10000x64xf32, #tpu.memory_space<hbm>>
          tpu.enqueue_indirect_dma source(%dma_start3A_128 : memref<10000x64xf32, #tpu.memory_space<hbm>>) target(%arg8 : memref<128x64xf32, #tpu.memory_space<vmem>>) offsets(%dma_start3A_125 : memref<128xi32, #tpu.memory_space<vmem>>) semaphore(%arg11 : memref<!tpu.dma_semaphore, #tpu.memory_space<semaphore_mem>>)
        } else {
        }
        %eq3A_119 = arith.constant 1 : i32
        %eq3A_120 = arith.cmpi eq, %arg0, %eq3A_119 : i32
        %convert_element_type3A_121 = arith.extui %eq3A_120 : i1 to i32
        %cond3A_122 = arith.constant 0 : i32
        %cond3A_123 = arith.cmpi ne, %convert_element_type3A_121, %cond3A_122 : i32
        scf.if %cond3A_123 {
          %dma_start3A = arith.constant 0 : i32
          %dma_start3A_124 = tpu.memref_slice %arg6[%add3A_113, %dma_start3A] : memref<160x128xi32, #tpu.memory_space<vmem>> -> memref<1x128xi32, #tpu.memory_space<vmem>>
          %dma_start3A_125 = tpu.memref_squeeze %dma_start3A_124 : memref<1x128xi32, #tpu.memory_space<vmem>> -> memref<128xi32, #tpu.memory_space<vmem>>
          %dma_start3A_126 = arith.constant 0 : i32
          %dma_start3A_127 = arith.constant 0 : i32
          %dma_start3A_128 = tpu.memref_slice %arg3[%dma_start3A_126, %dma_start3A_127] : memref<10000x64xf32, #tpu.memory_space<hbm>> -> memref<10000x64xf32, #tpu.memory_space<hbm>>
          tpu.enqueue_indirect_dma source(%dma_start3A_128 : memref<10000x64xf32, #tpu.memory_space<hbm>>) target(%arg8 : memref<128x64xf32, #tpu.memory_space<vmem>>) offsets(%dma_start3A_125 : memref<128xi32, #tpu.memory_space<vmem>>) semaphore(%arg11 : memref<!tpu.dma_semaphore, #tpu.memory_space<semaphore_mem>>)
        } else {
        }
      } else {
      }
      %dma_wait3A_104 = arith.constant 0 : i32
      %dma_wait3A_105 = arith.constant 0 : i32
      %dma_wait3A_106 = tpu.memref_slice %arg2[%dma_wait3A_104, %dma_wait3A_105] : memref<10000x64xf32, #tpu.memory_space<hbm>> -> memref<128x64xf32, #tpu.memory_space<hbm>>
      %dma_wait3A_107 = arith.constant 0 : i32
      %dma_wait3A_108 = arith.constant 0 : i32
      %dma_wait3A_109 = tpu.memref_slice %arg2[%dma_wait3A_107, %dma_wait3A_108] : memref<10000x64xf32, #tpu.memory_space<hbm>> -> memref<128x64xf32, #tpu.memory_space<hbm>>
      tpu.wait_dma2 semaphore(%arg12 : memref<!tpu.dma_semaphore, #tpu.memory_space<semaphore_mem>>) src(%dma_wait3A_109 : memref<128x64xf32, #tpu.memory_space<hbm>>) dst(%arg9 : memref<128x64xf32, #tpu.memory_space<vmem>>)
      %add3A_110 = arith.constant 1 : i32
      %add3A_111 = arith.addi %mul3A_80, %add3A_110 : i32
      "tpu.region"() ({
        %run_scoped3A_112 = tpu.sem_alloc : memref<!tpu.dma_semaphore, #tpu.memory_space<semaphore_mem>>
        %dma_start3A = arith.constant 0 : i32
        %dma_start3A_113 = tpu.memref_slice %arg7[%add3A_111, %dma_start3A] : memref<160x128xi32, #tpu.memory_space<vmem>> -> memref<1x128xi32, #tpu.memory_space<vmem>>
        %dma_start3A_114 = tpu.memref_squeeze %dma_start3A_113 : memref<1x128xi32, #tpu.memory_space<vmem>> -> memref<128xi32, #tpu.memory_space<vmem>>
        %dma_start3A_115 = arith.constant 0 : i32
        %dma_start3A_116 = arith.constant 0 : i32
        %dma_start3A_117 = tpu.memref_slice %arg10[%dma_start3A_115, %dma_start3A_116] : memref<10112x64xf32, #tpu.memory_space<vmem_shared>> -> memref<10112x64xf32, #tpu.memory_space<vmem_shared>>
        tpu.enqueue_indirect_dma source(%arg9 : memref<128x64xf32, #tpu.memory_space<vmem>>) target(%dma_start3A_117 : memref<10112x64xf32, #tpu.memory_space<vmem_shared>>) offsets(%dma_start3A_114 : memref<128xi32, #tpu.memory_space<vmem>>) semaphore(%run_scoped3A_112 : memref<!tpu.dma_semaphore, #tpu.memory_space<semaphore_mem>>) {add = true}
        %dma_wait3A_118 = arith.constant 0 : i32
        %dma_wait3A_119 = tpu.memref_slice %arg7[%add3A_111, %dma_wait3A_118] : memref<160x128xi32, #tpu.memory_space<vmem>> -> memref<1x128xi32, #tpu.memory_space<vmem>>
        %dma_wait3A_120 = tpu.memref_squeeze %dma_wait3A_119 : memref<1x128xi32, #tpu.memory_space<vmem>> -> memref<128xi32, #tpu.memory_space<vmem>>
        %dma_wait3A_121 = arith.constant 0 : i32
        %dma_wait3A_122 = arith.constant 0 : i32
        %dma_wait3A_123 = tpu.memref_slice %arg10[%dma_wait3A_121, %dma_wait3A_122] : memref<10112x64xf32, #tpu.memory_space<vmem_shared>> -> memref<10112x64xf32, #tpu.memory_space<vmem_shared>>
        tpu.wait_indirect_dma semaphore(%run_scoped3A_112 : memref<!tpu.dma_semaphore, #tpu.memory_space<semaphore_mem>>) src(%arg9 : memref<128x64xf32, #tpu.memory_space<vmem>>) dst(%dma_wait3A_123 : memref<10112x64xf32, #tpu.memory_space<vmem_shared>>)
        tpu.yield
      }) : () -> ()
    }
    %barrier3A_77 = arith.constant 0 : index
    tpu.barrier barrier_id(%barrier3A_77)
    "tpu.region"() ({
      %run_scoped3A_78 = tpu.sem_alloc : memref<!tpu.dma_semaphore, #tpu.memory_space<semaphore_mem>>
      %dma_start3A = arith.constant 0 : i32
      %dma_start3A_79 = tpu.memref_slice %arg5[%arg0, %mul3A_31, %dma_start3A] : memref<2x10112x64xf32, #tpu.memory_space<hbm>> -> memref<1x632x64xf32, #tpu.memory_space<hbm>>
      %dma_start3A_80 = tpu.memref_squeeze %dma_start3A_79 : memref<1x632x64xf32, #tpu.memory_space<hbm>> -> memref<632x64xf32, #tpu.memory_space<hbm>>
      %dma_start3A_81 = arith.constant 0 : i32
      %dma_start3A_82 = tpu.memref_slice %arg10[%mul3A_31, %dma_start3A_81] : memref<10112x64xf32, #tpu.memory_space<vmem_shared>> -> memref<632x64xf32, #tpu.memory_space<vmem_shared>>
      tpu.enqueue_dma source(%dma_start3A_82 : memref<632x64xf32, #tpu.memory_space<vmem_shared>>) target(%dma_start3A_80 : memref<632x64xf32, #tpu.memory_space<hbm>>) target_semaphore(%run_scoped3A_78 : memref<!tpu.dma_semaphore, #tpu.memory_space<semaphore_mem>>)
      %dma_wait3A = arith.constant 0 : i32
      %dma_wait3A_83 = tpu.memref_slice %arg5[%arg0, %mul3A_31, %dma_wait3A] : memref<2x10112x64xf32, #tpu.memory_space<hbm>> -> memref<1x632x64xf32, #tpu.memory_space<hbm>>
      %dma_wait3A_84 = tpu.memref_squeeze %dma_wait3A_83 : memref<1x632x64xf32, #tpu.memory_space<hbm>> -> memref<632x64xf32, #tpu.memory_space<hbm>>
      %dma_wait3A_85 = arith.constant 0 : i32
      %dma_wait3A_86 = tpu.memref_slice %arg10[%mul3A_31, %dma_wait3A_85] : memref<10112x64xf32, #tpu.memory_space<vmem_shared>> -> memref<632x64xf32, #tpu.memory_space<vmem_shared>>
      tpu.wait_dma2 semaphore(%run_scoped3A_78 : memref<!tpu.dma_semaphore, #tpu.memory_space<semaphore_mem>>) src(%dma_wait3A_86 : memref<632x64xf32, #tpu.memory_space<vmem_shared>>) dst(%dma_wait3A_84 : memref<632x64xf32, #tpu.memory_space<hbm>>)
      tpu.yield
    }) : () -> ()
    return
  }
}

</mosaic_0001>

<sc_bundles>
// kernel: _sc_scatter.4.cloned.1.call-start
scs
__scs_entry_jumppad:
0x0: {  	(pc) =	sbr.rel $0x88, $3  }
0x1: {  	(tag) =	ssettag $0x0;
	lr =	simm.s32 $0x1  }
0x2: {  	[smem:$0x3F9C] =	sst lr;
	_ =	strace $0xD0000000  }
0x3: {  	_ = 	snop  }
0x4: {  	_ = 	snop  }
0x5: {  	_ = 	snop  }
0x6: {  	_ = 	snop  }
0x7: {  	_ = 	snop  }
__scs_overlays_trampoline_lowered:
0x8: {  	[smem:$0x3FAB] =	sst s0  }
0x9: {  	[smem:$0x3FAC] =	sst s1  }
0xa: {  	[smem:$0x3FAD] =	sst s2  }
0xb: {  	[smem:$0x3FAE] =	sst s3  }
0xc: {  	[smem:$0x3FAF] =	sst s4  }
0xd: {  	[smem:$0x3FB0] =	sst s5  }
0xe: {  	[smem:$0x3FB1] =	sst s6  }
0xf: {  	[smem:$0x3FB2] =	sst s7  }
0x10: {  	[smem:$0x3FB3] =	sst s8  }
0x11: {  	[smem:$0x3FB4] =	sst s9;
	s0 =	simm.s32 @!p0 $0x0  }
0x12: {  	s1 =	sld [smem:$0x3F9A];
	s0 =	simm.s32 @p0 $0x1  }
0x13: {  	[smem:$0x3FB5] =	sst s0;
	s0 =	simm.s32 @!p1 $0x0  }
0x14: {  	s2 =	sld [smem:$0x3F99];
	s0 =	simm.s32 @p1 $0x1  }
0x15: {  	[smem:$0x3FB6] =	sst s0;
	s0 =	simm.s32 @!p2 $0x0  }
0x16: {  	s3 =	sld [smem:$0x3FDB];
	s0 =	simm.s32 @p2 $0x1  }
0x17: {  	s4 =	simm.s32 $0x1BF5;
	[smem:$0x3FB8] =	sst s0  }
0x18: {  	s0 =	sld [smem:$0x3F9B];
	_ =	swait.ge [sflag:s4], $0x0  }
0x19: {  	s7 =	sld [smem:$0x3F9C]  }
0x1a: {  	s8 =	sadd.s32 $0xFFFFE003, lr  }
0x1b: {  	s9 =	sadd.s32 $0xFFFFFEF7, lr;
	s5 =	simm.s32 $0xFFFFFFFF;
	p2 =	slt.u32 s8, $0xFFFFF086  }
0x1c: {  	p1 =	slt.u32 s9, $0xF7A;
	s5 =	simm.s32 @!p2 $0x0  }
0x1d: {  	s5 =	simm.s32 @p1 $0x1;
	p0 =	seq.s32 s7, s2  }
0x1e: {  	s7 =	smul.u32 @!p0 $0xF7A, s2;
	p2 =	seq.s32 @!p0 s5, $0x0  }
0x1f: {  	s9 =	smul.u32 $0xF7A, s1;
	s8 =	simm.s32 @!p0 $0x1BF5;
	p2 =	por !p2, p0  }
0x20: {  	[sflag:s8] =	ssyncset.s32 @!p0 $0xFFFFF086;
	s6 =	sadd.s32 @!p0 s3, s7;
	s7 =	simm.s32 @!p0 $0x108  }
0x21: {  	s3 =	sadd.s32 s3, s9;
	s6 =	sadd.s32 @!p0 $0x88, s6;
	s7 =	simm.s32 @p2 $0x1082  }
0x22: {  	[simem:s7], [sflag:s8] =	dma.local @!p0 [hbm:s6], $0xF7A  }
0x23: {  	s9 =	sor.u32 $0xD0000000, s2;
	s6 =	simm.s32 $0x108;
	_ =	swait.ge @!p0 [sflag:s8], $0x0  }
0x24: {  	s3 =	sadd.s32 $0x88, s3;
	s6 =	simm.s32 @!p1 $0x1082;
	[sflag:s4] =	ssyncset.s32 $0xFFFFF086  }
0x25: {  	[simem:s6], [sflag:s4] =	dma.local [hbm:s3], $0xF7A  }
0x26: {  	[smem:$0x3F9C] =	sst s1;
	(tag) =	ssettag s2;
	_ =	strace s9  }
0x27: {  	s1 =	sld [smem:$0x3FAC]  }
0x28: {  	s2 =	sld [smem:$0x3FAD]  }
0x29: {  	s4 =	sld [smem:$0x3FAF]  }
0x2a: {  	p0 =	seq.s32 s5, $0x0;
	s5 =	sld [smem:$0x3FB0]  }
0x2b: {  	s6 =	sld [smem:$0x3FB1]  }
0x2c: {  	s7 =	sld [smem:$0x3FB2]  }
0x2d: {  	s3 =	simm.s32 $0x108;
	s8 =	sld [smem:$0x3FB3]  }
0x2e: {  	s3 =	simm.s32 @!p0 $0x1082;
	s9 =	sld [smem:$0x3FB4]  }
0x2f: {  	lr =	sadd.s32 s0, s3;
	s0 =	sld [smem:$0x3FAB]  }
0x30: {  	s3 =	sld [smem:$0x3FAE]  }
0x31: {  	[smem:$0x3FB7] =	sst s10  }
0x32: {  	s10 =	sld [smem:$0x3FB5];
	_ =	sdelay $0x3  }
0x33: {  	p0 =	seq.s32 s10, $0x1;
	s10 =	sld [smem:$0x3FB7];
	_ =	sdelay $0x3  }
0x34: {  	[smem:$0x3FB7] =	sst s10  }
0x35: {  	s10 =	sld [smem:$0x3FB6];
	_ =	sdelay $0x3  }
0x36: {  	p1 =	seq.s32 s10, $0x1;
	s10 =	sld [smem:$0x3FB7];
	_ =	sdelay $0x3  }
0x37: {  	[smem:$0x3FB7] =	sst s10  }
0x38: {  	s10 =	sld [smem:$0x3FB8]  }
0x39: {  	_ = 	snop;
	(pc) =	sbr.ind lr, $3  }
0x3a: {  	_ = 	snop  }
0x3b: {  	_ = 	snop  }
0x3c: {  	p2 =	seq.s32 s10, $0x1;
	s10 =	sld [smem:$0x3FB7]  }
0x3d: {  	_ =	shalt  }
0x3e: {  	_ =	shalt  }
0x3f: {  	_ =	shalt  }
0x40: {  	_ =	shalt  }
0x41: {  	_ =	shalt  }
0x42: {  	_ =	shalt  }
0x43: {  	_ =	shalt  }
0x44: {  	_ =	shalt  }
0x45: {  	_ =	shalt  }
0x46: {  	_ =	shalt  }
0x47: {  	_ =	shalt  }
0x48: {  	_ =	shalt  }
0x49: {  	_ =	shalt  }
0x4a: {  	_ =	shalt  }
0x4b: {  	_ =	shalt  }
0x4c: {  	_ =	shalt  }
0x4d: {  	_ =	shalt  }
0x4e: {  	_ =	shalt  }
0x4f: {  	_ =	shalt  }
0x50: {  	_ =	shalt  }
0x51: {  	_ =	shalt  }
0x52: {  	_ =	shalt  }
0x53: {  	_ =	shalt  }
0x54: {  	_ =	shalt  }
0x55: {  	_ =	shalt  }
0x56: {  	_ =	shalt  }
0x57: {  	_ =	shalt  }
0x58: {  	_ =	shalt  }
0x59: {  	_ =	shalt  }
0x5a: {  	_ =	shalt  }
0x5b: {  	_ =	shalt  }
0x5c: {  	_ =	shalt  }
0x5d: {  	_ =	shalt  }
0x5e: {  	_ =	shalt  }
0x5f: {  	_ =	shalt  }
0x60: {  	_ =	shalt  }
0x61: {  	_ =	shalt  }
0x62: {  	_ =	shalt  }
0x63: {  	_ =	shalt  }
0x64: {  	_ =	shalt  }
0x65: {  	_ =	shalt  }
0x66: {  	_ =	shalt  }
0x67: {  	_ =	shalt  }
0x68: {  	_ =	shalt  }
0x69: {  	_ =	shalt  }
0x6a: {  	_ =	shalt  }
0x6b: {  	_ =	shalt  }
0x6c: {  	_ =	shalt  }
0x6d: {  	_ =	shalt  }
0x6e: {  	_ =	shalt  }
0x6f: {  	_ =	shalt  }
0x70: {  	_ =	shalt  }
0x71: {  	_ =	shalt  }
0x72: {  	_ =	shalt  }
0x73: {  	_ =	shalt  }
0x74: {  	_ =	shalt  }
0x75: {  	_ =	shalt  }
0x76: {  	_ =	shalt  }
0x77: {  	_ =	shalt  }
0x78: {  	_ =	shalt  }
0x79: {  	_ =	shalt  }
0x7a: {  	_ =	shalt  }
0x7b: {  	_ =	shalt  }
0x7c: {  	_ =	shalt  }
0x7d: {  	_ =	shalt  }
0x7e: {  	_ =	shalt  }
0x7f: {  	_ =	shalt  }
0x80: {  	_ =	shalt  }
0x81: {  	_ =	shalt  }
0x82: {  	_ =	shalt  }
0x83: {  	_ =	shalt  }
0x84: {  	_ =	shalt  }
0x85: {  	_ =	shalt  }
0x86: {  	_ =	shalt  }
0x87: {  	_ =	shalt  }
.Lfunc_end0:
.L_simem_size_0:
called_computation_lowered:
.L_overlay_start_0:
0x88: {  	s2 =	sld [smem:$0x3FD9]  }
0x89: {  	s3 =	sld [smem:$0x3FFE];
	_ =	sdelay $0x1  }
0x8a: {  	s1 =	srdreg.scid  }
0x8b: {  	s0 =	sand.u32 $0x1, s1  }
0x8c: {  	s14 =	sshll.u32 s0, $0xA;
	s2 =	sadd.s32 s3, s2  }
0x8d: {  	s2 =	sadd.s32 s2, s14  }
0x8e: {  	[smem:$0x3FC3] =	sst s2  }
0x8f: {  	_ = 	snop  }
0x90: {  	s2 =	sld [smem:$0x3FD0];
	_ =	sdelay $0x2  }
0x91: {  	s15 =	simm.s32 $0xA;
	s4 =	simm.s32 $0x10  }
0x92: {  	[smem:s4], [sflag:s15] =	dma.local [hbm:s2], $0x1  }
0x93: {  	_ =	swait.eq [sflag:s15], $0x1  }
0x94: {  	[sflag:s15] =	ssyncset.done $0x0  }
0x95: {  	[sflag:s15] =	ssyncadd.s32 $0xFFFFFFFF  }
0x96: {  	s16 =	sld [smem:$0x10];
	(tm) =	ssettm $0x1  }
0x97: {  	s17 =	sld [smem:$0x3FFB];
	_ =	sdelay $0x3  }
0x98: {  	_ =	strace s17  }
0x99: {  	s3 =	sld [smem:$0x3FFC];
	_ =	sdelay $0x3  }
0x9a: {  	_ =	strace s3  }
0x9b: {  	s3 =	sld [smem:$0x3FFD];
	_ =	sdelay $0x3  }
0x9c: {  	_ =	strace s3  }
0x9d: {  	_ =	strace $0x8FFFFFFF  }
0x9e: {  	s18 =	sld [smem:$0x3FDB];
	_ =	sdelay $0x1  }
0x9f: {  	s19 =	simm.s32 $_scs_section_size  }
0xa0: {  	s5 =	simm.s32 $_size__tile_overlayer_lowered;
	s6 =	simm.s32 $_tile_overlayer_lowered  }
0xa1: {  	s22 =	simm.s32 $0x1BFF;
	s21 =	sshll.u32 s6, $0x1;
	s3 =	sadd.s32 s19, s18  }
0xa2: {  	s7 =	simm.s32 $0x0;
	s20 =	sshll.u32 s5, $0x1;
	s5 =	sadd.s32 s21, s3  }
0xa3: {  	[timem:s7], [sflag:s22] =	dma.local [hbm:s5], s20  }
0xa4: {  	_ =	swait.ge [sflag:s22], s20  }
0xa5: {  	s4 =	ssub.s32 $0x0, s20;
	[sflag:s22] =	ssyncset.done $0x0  }
0xa6: {  	[sflag:s22] =	ssyncadd.s32 s4;
	_ =	sdelay $0x1  }
0xa7: {  	s23 =	simm.s32 $0x1B8B  }
0xa8: {  	_ =	swait.ge [sflag:s23], $0x1  }
0xa9: {  	[sflag:s23] =	ssyncset.done $0x0  }
0xaa: {  	s25 =	simm.s32 $0x1B8E;
	s24 =	sld [smem:$0x3FFE];
	[sflag:s23] =	ssyncadd.s32 $0xFFFFFFFF  }
0xab: {  	s26 =	simm.s32 $execute0_lowered;
	[smem:$0x3FD2] =	sst s25  }
0xac: {  	s5 =	sshll.u32 s26, $0x1;
	_ =	strace $0x80000046;
	[dreg:$0x1] =	wrdreg $0xFFFFFFFF  }
0xad: {  	s28 =	simm.s32 $_size_execute0_lowered;
	s3 =	sadd.s32 s3, s5;
	[dreg:$0x0] =	wrdreg $0x0  }
0xae: {  	s5 =	sshll.u32 s28, $0x1;
	[dreg:$0x2] =	wrdreg s3  }
0xaf: {  	[dreg:$0x3] =	wrdreg s5  }
0xb0: {  	[dreg:$0x4] =	wrdreg $0xC0  }
0xb1: {  	_ =	task [dreg:s7], $0x5FFFF  }
0xb2: {  	[dreg:$0x1] =	wrdreg $0xFFFFFFFF  }
0xb3: {  	[dreg:$0x0] =	wrdreg $0x60  }
0xb4: {  	[dreg:$0x2] =	wrdreg s24  }
0xb5: {  	[dreg:$0x3] =	wrdreg s16  }
0xb6: {  	[dreg:$0x4] =	wrdreg $0xE0000  }
0xb7: {  	[dreg:$0x5] =	wrdreg $0x9  }
0xb8: {  	_ =	task.clear_ibuf [dreg:s7], $0x6FFFF;
	_ =	strace $0x90000046  }
0xb9: {  	s29 =	simm.s32 $0x9;
	_ =	strace $0x80000048  }
0xba: {  	_ =	swait.ge [sflag:s29], $0x1  }
0xbb: {  	[sflag:s29] =	ssyncadd.s32 $0xFFFFFFFF  }
0xbc: {  	_ =	strace $0x90000048  }
0xbd: {  	_ =	sfence  }
0xbe: {  	s30 =	sld [smem:$0x0];
	_ =	sdelay $0x2  }
0xbf: {  	s31 =	sshll.u32 s1, $0xD;
	s1 =	sshrl.u32 s1, $0x2  }
0xc0: {  	s3 =	sand.u32 $0x4000, s31;
	s1 =	sadd.s32 s1, s30  }
0xc1: {  	s0 =	sor.u32 s3, s0;
	s1 =	sshll.u32 s1, $0x11  }
0xc2: {  	s0 =	sor.u32 s1, s0  }
0xc3: {  	s0 =	sadd.s32 $0x8F2B, s0  }
0xc4: {  	[sflag:s0] =	ssyncadd.remote.s32 $0x1  }
0xc5: {  	_ =	sfence.sel $0xFFFF  }
0xc6: {  	[dreg:$0x0] =	wrdreg $0xFFFFFFFF;
	(pc) =	sbr.abs _section_cstart, $3  }
0xc7: {  	[dreg:$0x1] =	wrdreg $0xFFFFFFFF  }
0xc8: {  	_ =	task.clear_ibuf [dreg:s7], $0x2FFFF;
	_ =	strace $0x9FFFFFFF  }
0xc9: {  	(tm) =	ssettm $0x7FFFFFFF  }
tec
execute0_lowered:
.L_overlay_start_1:
0x0: {  	(tag) =	ssettag $0x1  }
0x1: {  	s1 =	rddreg [dreg:$0x0]  }
0x2: {  	s15 =	rddreg [dreg:$0x1]  }
0x3: {  	s2 =	rddreg [dreg:$0x2];
	s0 =	stileid.u32  }
0x4: {  	s5 =	srdreg.scid;
	s20 =	simm.s32 $0xA000;
	s21 =	simm.s32 $0x80  }
0x5: {  	s22 =	simm.s32 $0xC000;
	s23 =	simm.s32 $0x1;
	s24 =	simm.s32 $0x2  }
0x6: {  	s25 =	simm.s32 $0x0;
	s4 =	smul.u32 $0x98, s0;
	s3 =	smin.u32 s0, $0x8  }
0x7: {  	s16 =	sand.u32 $0x1, s5;
	s10 =	smul.u32 $0x27800, s0;
	s7 =	sadd.s32 $0x14640, s1  }
0x8: {  	s13 =	smul.u32 $0x9E00, s0;
	s6 =	sshll.u32 s3, $0x3;
	s3 =	simm.s32 $0x0  }
0x9: {  	s5 =	ssub.s32 $0x2, s16;
	s14 =	smul.u32 $0x9E000, s16;
	p0 =	seq.s32 s16, $0x0  }
0xa: {  	s4 =	sadd.s32 s4, s6;
	[smem:$0x7FF] =	sst s3;
	s29 =	sshrl.u32 s5, $0x1  }
0xb: {  	s6 =	sadd.s32 $0xAA00, s1;
	s11 =	sshrl.u32 s10, $0x2;
	s10 =	sadd.s32 s13, s2  }
0xc: {  	s4 =	sshll.u32 s4, $0x4;
	_ =	strace $0x80000047;
	s17 =	ssub.s32 s5, s29  }
0xd: {  	s18 =	sadd.s32 s11, s2;
	s19 =	sadd.s32 s13, s14;
	s9 =	sadd.s32 s4, s1  }
0xe: {  	s11 =	sadd.s32 $0x2000, s18;
	s12 =	sadd.s32 $0x4000, s18;
	s13 =	sadd.s32 $0x6000, s18  }
0xf: {  	s14 =	sadd.s32 $0x8000, s18;
	s31 =	sshrl.u32 s19, $0x3;
	s18 =	simm.s32 $0x14800  }
0x10: {  	s16 =	smax.u32 s17, $0x1;
	s4 =	sadd.s32 $0xE00, s9;
	s30 =	sadd.s32 $0xAA40, s9  }
0x11: {  	s8 =	sadd.s32 $0x1780, s9;
	s9 =	sadd.s32 $0xB3C0, s9;
	s15 =	sadd.s32 s15, s31  }
0x12: {  	s18 =	simm.s32 @!p0 $0x28200;
	p0 =	sgt.u32 s0, $0x7;
	[dreg:$0x4] =	wrdreg s4  }
0x13: {  	[dreg:$0x5] =	wrdreg s30;
	s17 =	sadd.s32 s18, s1;
	p2 =	sne.s32 @p0 s0, $0xF  }
0x14: {  	v0 =	vimm.f32 $0.0e+00;
	s18 =	simm.s32 $0x3;
	p1 =	por p2, !p0;
	p2 =	por !p2, !p0  }
.LBB2_1:
0x15: {  	s0 =	rddreg [dreg:$0x4]  }
0x16: {  	[tilespmem:s3], [sflag:$0x3] =	stream.linear.gather [hbm4b:s0+s3], $0x4C00, $0x38;
	[tilespmem:$0x17E00] =	vst v63  }
0x17: {  	_ =	swait.ge [sflag:s18], $0x4C00  }
0x18: {  	[sflag:s18] =	ssyncset.done $0x0  }
0x19: {  	s1 =	simm.s32 $0x5000;
	s31 =	rddreg [dreg:$0x5];
	[sflag:s18] =	ssyncadd.s32 $0xFFFFB400  }
0x1a: {  	[tilespmem:s1], [sflag:$0x3] =	stream.linear.gather [hbm4b:s31+s3], $0x4C00, $0x38;
	[tilespmem:$0x17E00] =	vst v63  }
0x1b: {  	_ =	swait.ge [sflag:s18], $0x4C00  }
0x1c: {  	[sflag:s18] =	ssyncset.done $0x0  }
0x1d: {  	s19 =	simm.s32 @!p1 $0x4C00;
	s1 =	simm.s32 @!p1 $0x0;
	[sflag:s18] =	ssyncadd.s32 $0xFFFFB400  }
0x1e: {  	[tilespmem:s19], [sflag:$0x3] =	stream.linear.gather @!p1 [hbm4b:s6+s1], $0x200, $0x38;
	[tilespmem:$0x17E00] =	vst v63  }
0x1f: {  	s19 =	simm.s32 @!p1 $0x3  }
0x20: {  	_ =	swait.ge @!p1 [sflag:s19], $0x200  }
0x21: {  	[sflag:s19] =	ssyncset.done @!p1 $0x0  }
0x22: {  	s26 =	simm.s32 @!p1 $0x9C00;
	[sflag:s19] =	ssyncadd.s32 @!p1 $0xFFFFFE00  }
0x23: {  	[tilespmem:s26], [sflag:$0x3] =	stream.linear.gather @!p1 [hbm4b:s7+s1], $0x200, $0x38;
	[tilespmem:$0x17E00] =	vst v63  }
0x24: {  	_ =	swait.ge @!p1 [sflag:s19], $0x200  }
0x25: {  	[sflag:s19] =	ssyncset.done @!p1 $0x0  }
0x26: {  	s1 =	simm.s32 @!p0 $0x0;
	[sflag:s19] =	ssyncadd.s32 @!p1 $0xFFFFFE00;
	s19 =	simm.s32 @!p0 $0x4C00  }
0x27: {  	[tilespmem:s19], [sflag:$0x3] =	stream.linear.gather @!p0 [hbm4b:s8+s1], $0x400, $0x38;
	[tilespmem:$0x17E00] =	vst v63  }
0x28: {  	s19 =	simm.s32 @!p0 $0x3  }
0x29: {  	_ =	swait.ge @!p0 [sflag:s19], $0x400  }
0x2a: {  	[sflag:s19] =	ssyncset.done @!p0 $0x0  }
0x2b: {  	s26 =	simm.s32 @!p0 $0x9C00;
	[sflag:s19] =	ssyncadd.s32 @!p0 $0xFFFFFC00  }
0x2c: {  	[tilespmem:s26], [sflag:$0x3] =	stream.linear.gather @!p0 [hbm4b:s9+s1], $0x400, $0x38;
	[tilespmem:$0x17E00] =	vst v63  }
0x2d: {  	s26 =	simm.s32 @p0 $0x98;
	_ =	swait.ge @!p0 [sflag:s19], $0x400  }
0x2e: {  	s1 =	simm.s32 $0x0;
	s26 =	simm.s32 @p2 $0x9C;
	[sflag:s19] =	ssyncset.done @!p0 $0x0  }
0x2f: {  	s26 =	simm.s32 @!p0 $0xA0;
	[sflag:s19] =	ssyncadd.s32 @!p0 $0xFFFFFC00;
	s19 =	simm.s32 $0x100  }
.LBB2_2:
0x30: {  	p3 =	sne.s32 s19, $0x7F00;
	[tilespmem:s1+$0xA030] =	vst v0;
	s28 =	smov.u32 s19;
	s19 =	sadd.s32 $0x100, s19  }
.Ltmp0:
0x31: {  	[tilespmem:s1+$0xA020] =	vst v0;
	(pc) =	sbr.rel @p3 .LBB2_2-.Ltmp0, $3  }
0x32: {  	[tilespmem:s1+$0xA000] =	vst v0  }
0x33: {  	[tilespmem:s1+$0xA010] =	vst v0;
	_ =	sdelay $0x1  }
0x34: {  	s1 =	sshra.s32 s28, $0x2  }
0x35: {  	[tilespmem:s1+$0xA030] =	vst v0  }
0x36: {  	[tilespmem:s1+$0xA020] =	vst v0  }
0x37: {  	[tilespmem:s1+$0xA000] =	vst v0  }
0x38: {  	[tilespmem:s1+$0xA010] =	vst v0  }
0x39: {  	[spmem:s10] =	stream.linear.scatter [tilespmem:s20], [sflag:$0x3], $0x2000, $0x38;
	[tilespmem:$0x17E00] =	vst v63  }
0x3a: {  	_ =	swait.ge [sflag:s18], $0x2000  }
0x3b: {  	[sflag:s18] =	ssyncset.done $0x0  }
0x3c: {  	[sflag:s18] =	ssyncadd.s32 $0xFFFFE000  }
0x3d: {  	[spmem:s11] =	stream.linear.scatter [tilespmem:s20], [sflag:$0x3], $0x2000, $0x38;
	[tilespmem:$0x17E00] =	vst v63  }
0x3e: {  	_ =	swait.ge [sflag:s18], $0x2000  }
0x3f: {  	[sflag:s18] =	ssyncset.done $0x0  }
0x40: {  	[sflag:s18] =	ssyncadd.s32 $0xFFFFE000  }
0x41: {  	[spmem:s12] =	stream.linear.scatter [tilespmem:s20], [sflag:$0x3], $0x2000, $0x38;
	[tilespmem:$0x17E00] =	vst v63  }
0x42: {  	_ =	swait.ge [sflag:s18], $0x2000  }
0x43: {  	[sflag:s18] =	ssyncset.done $0x0  }
0x44: {  	[sflag:s18] =	ssyncadd.s32 $0xFFFFE000  }
0x45: {  	[spmem:s13] =	stream.linear.scatter [tilespmem:s20], [sflag:$0x3], $0x2000, $0x38;
	[tilespmem:$0x17E00] =	vst v63  }
0x46: {  	_ =	swait.ge [sflag:s18], $0x2000  }
0x47: {  	[sflag:s18] =	ssyncset.done $0x0  }
0x48: {  	[sflag:s18] =	ssyncadd.s32 $0xFFFFE000  }
0x49: {  	[spmem:s14] =	stream.linear.scatter [tilespmem:s20], [sflag:$0x3], $0x1E00, $0x38;
	[tilespmem:$0x17E00] =	vst v63  }
0x4a: {  	_ =	swait.ge [sflag:s18], $0x1E00  }
0x4b: {  	[sflag:s18] =	ssyncset.done $0x0  }
0x4c: {  	[sflag:s18] =	ssyncadd.s32 $0xFFFFE200  }
0x4d: {  	s28 =	simm.s32 $0x80;
	[bflag:$0x0] =	sbarrier.arrive $0xFFFF  }
0x4e: {  	[tilespmem:s20], [sflag:$0x1] =	stream.indirect.gather [hbm4b:s17+s28], $0x40, s3, s28, $0xb8;
	[tilespmem:$0x17E00] =	vst v63  }
0x4f: {  	_ = 	snop  }
0x50: {  	[tilespmem:s22], [sflag:$0x2] =	stream.indirect.gather [hbm4b:s17+s21], $0x40, s28, s21, $0xb8;
	[tilespmem:$0x17E00] =	vst v63  }
0x51: {  	_ =	swait.ge [sflag:s23], $0x2000  }
0x52: {  	[sflag:s23] =	ssyncset.done $0x0  }
0x53: {  	s5 =	simm.s32 $0x5000;
	[sflag:s23] =	ssyncadd.s32 $0xFFFFE000  }
0x54: {  	[spmem:s2] =	stream.indirect.scatter.add.f32 [tilespmem:s20], [sflag:$0x3], $0x40, s5, s21, $0xb8;
	[tilespmem:$0x17E00] =	vst v63  }
0x55: {  	p3 =	sle.u32 s26, $0x2;
	_ =	swait.ge [sflag:s18], $0x2000  }
0x56: {  	s1 =	simm.s32 @!p3 $0x100;
	[sflag:s18] =	ssyncset.done $0x0  }
0x57: {  	s19 =	simm.s32 @!p3 $0x80;
	s29 =	simm.s32 @!p3 $0xA000;
	[sflag:s18] =	ssyncadd.s32 $0xFFFFE000  }
0x58: {  	[tilespmem:s29], [sflag:$0x1] =	stream.indirect.gather @!p3 [hbm4b:s17+s19], $0x40, s1, s19, $0xb8;
	[tilespmem:$0x17E00] =	vst v63  }
0x59: {  	s19 =	sshrl.u32 s26, $0x1  }
0x5a: {  	s1 =	sadd.s32 $0xFFFFFFFF, s19  }
0x5b: {  	s19 =	sadd.s32 $0xFFFFFFFF, s1  }
0x5c: {  	p3 =	sne.s32 s19, $0x0  }
.Ltmp1:
0x5d: {  	_ =	swait.ge [sflag:s24], $0x2000;
	(pc) =	sbr.rel @!p3 .LBB2_5-.Ltmp1, $4  }
0x5e: {  	[sflag:s24] =	ssyncset.done $0x0  }
0x5f: {  	s31 =	simm.s32 $0x5080;
	s30 =	simm.s32 $0x4;
	[sflag:s24] =	ssyncadd.s32 $0xFFFFE000  }
0x60: {  	[spmem:s2] =	stream.indirect.scatter.add.f32 [tilespmem:s22], [sflag:$0x3], $0x40, s31, s21, $0xb8;
	[tilespmem:$0x17E00] =	vst v63  }
0x61: {  	s29 =	simm.s32 $0x5180;
	s1 =	simm.s32 $0x80;
	_ =	swait.ge [sflag:s18], $0x2000  }
.LBB2_4:
0x62: {  	s1 =	smov.u32 s28;
	s31 =	smov.u32 s29  }
0x63: {  	s19 =	sadd.s32 $0xFFFFFFFF, s19;
	s28 =	sadd.s32 $0x100, s28;
	[sflag:s18] =	ssyncset.done $0x0  }
0x64: {  	p3 =	sne.s32 s19, $0x0;
	[sflag:s18] =	ssyncadd.s32 $0xFFFFE000  }
0x65: {  	[tilespmem:s22], [sflag:$0x2] =	stream.indirect.gather [hbm4b:s17+s21], $0x40, s28, s21, $0xb8;
	[tilespmem:$0x17E00] =	vst v63  }
0x66: {  	_ =	swait.ge [sflag:s23], $0x2000  }
0x67: {  	s0 =	sadd.s32 $0xFFFFFF80, s29;
	[sflag:s23] =	ssyncset.done $0x0  }
0x68: {  	[sflag:s23] =	ssyncadd.s32 $0xFFFFE000  }
0x69: {  	[spmem:s2] =	stream.indirect.scatter.add.f32 [tilespmem:s20], [sflag:$0x3], $0x40, s0, s21, $0xb8;
	[tilespmem:$0x17E00] =	vst v63  }
0x6a: {  	p4 =	sge.u32 s30, s26;
	_ =	swait.ge [sflag:s18], $0x2000  }
0x6b: {  	s4 =	simm.s32 @!p4 $0x80;
	s0 =	sadd.s32 @!p4 $0x80, s28;
	[sflag:s18] =	ssyncset.done $0x0  }
0x6c: {  	s5 =	simm.s32 @!p4 $0xA000;
	[sflag:s18] =	ssyncadd.s32 $0xFFFFE000  }
0x6d: {  	[tilespmem:s5], [sflag:$0x1] =	stream.indirect.gather @!p4 [hbm4b:s17+s4], $0x40, s0, s4, $0xb8;
	[tilespmem:$0x17E00] =	vst v63  }
.Ltmp2:
0x6e: {  	_ =	swait.ge [sflag:s24], $0x2000;
	(pc) =	sbr.rel @p3 .LBB2_4-.Ltmp2, $4  }
0x6f: {  	[sflag:s24] =	ssyncset.done $0x0  }
0x70: {  	[sflag:s24] =	ssyncadd.s32 $0xFFFFE000  }
0x71: {  	[spmem:s2] =	stream.indirect.scatter.add.f32 [tilespmem:s22], [sflag:$0x3], $0x40, s29, s21, $0xb8;
	[tilespmem:$0x17E00] =	vst v63  }
0x72: {  	s30 =	sadd.s32 $0x2, s30;
	s29 =	sadd.s32 $0x100, s29;
	_ =	swait.ge [sflag:s18], $0x2000  }
.LBB2_5:
0x73: {  	[sflag:s18] =	ssyncset.done $0x0  }
0x74: {  	s0 =	sadd.s32 $0x100, s28;
	[sflag:s18] =	ssyncadd.s32 $0xFFFFE000  }
0x75: {  	[tilespmem:s22], [sflag:$0x2] =	stream.indirect.gather [hbm4b:s17+s21], $0x40, s0, s21, $0xb8;
	[tilespmem:$0x17E00] =	vst v63  }
0x76: {  	_ =	swait.ge [sflag:s23], $0x2000  }
0x77: {  	[sflag:s23] =	ssyncset.done $0x0  }
0x78: {  	s28 =	sadd.s32 $0x80, s31;
	[sflag:s23] =	ssyncadd.s32 $0xFFFFE000  }
0x79: {  	[spmem:s2] =	stream.indirect.scatter.add.f32 [tilespmem:s20], [sflag:$0x3], $0x40, s28, s21, $0xb8;
	[tilespmem:$0x17E00] =	vst v63  }
0x7a: {  	p3 =	sge.u32 s30, s26;
	_ =	swait.ge [sflag:s18], $0x2000  }
0x7b: {  	s4 =	simm.s32 @!p3 $0xA000;
	[sflag:s18] =	ssyncset.done $0x0  }
0x7c: {  	s0 =	sadd.s32 @!p3 $0x180, s1;
	s1 =	simm.s32 @!p3 $0x80;
	[sflag:s18] =	ssyncadd.s32 $0xFFFFE000  }
0x7d: {  	[tilespmem:s4], [sflag:$0x1] =	stream.indirect.gather @!p3 [hbm4b:s17+s1], $0x40, s0, s1, $0xb8;
	[tilespmem:$0x17E00] =	vst v63  }
0x7e: {  	_ =	swait.ge [sflag:s24], $0x2000  }
0x7f: {  	[sflag:s24] =	ssyncset.done $0x0  }
0x80: {  	[sflag:s24] =	ssyncadd.s32 $0xFFFFE000  }
0x81: {  	[spmem:s2] =	stream.indirect.scatter.add.f32 [tilespmem:s22], [sflag:$0x3], $0x40, s29, s21, $0xb8;
	[tilespmem:$0x17E00] =	vst v63  }
0x82: {  	s30 =	stileid.u32;
	_ =	swait.ge [sflag:s18], $0x2000  }
0x83: {  	s31 =	sshrl.u32 s10, $0x3;
	s25 =	sadd.s32 $0x1, s25;
	[sflag:s18] =	ssyncset.done $0x0  }
0x84: {  	s0 =	sshll.u32 s30, $0x6;
	p3 =	sne.s32 s25, s16;
	[sflag:s18] =	ssyncadd.s32 $0xFFFFE000  }
.Ltmp3:
0x85: {  	s0 =	sor.u32 $0x1C03, s0;
	[bflag:$0x0] =	sbarrier.arrive $0xFFFF;
	(pc) =	sbr.rel @p3 .LBB2_1-.Ltmp3, $4  }
0x86: {  	[hbm:s15], [sflag:s0] =	dma.local [spmem:s31], $0x13C0  }
0x87: {  	_ =	swait.ge [sflag:s18], $0x13C0  }
0x88: {  	[sflag:s18] =	ssyncset.done $0x0  }
0x89: {  	[sflag:s18] =	ssyncadd.s32 $0xFFFFEC40  }
0x8a: {  	_ =	sfence.sel $0x180000  }
0x8b: {  	[bflag:$0x0] =	sbarrier.arrive $0xFFFF  }
0x8c: {  	_ =	strace $0x90000047  }
0x8d: {  	s0 =	stileid.u32;
	[bflag:$0x2] =	sbarrier.arrive $0xFFFF  }
0x8e: {  	p0 =	sne.s32 s0, $0x0;
	s0 =	rddreg [dreg:$0x3]  }
0x8f: {  	s0 =	sadd.s32 @!p0 $0x100000, s0  }
0x90: {  	[sflag:s0] =	ssyncadd.tile.s32 @!p0 $0x1;
	_ =	shalt  }
.Lfunc_end2:
_tile_overlayer_lowered:
.L_overlay_start_2:
0x91: {  	(tag) =	ssettag $0x2  }
0x92: {  	s0 =	rddreg [dreg:$0x0];
	s2 =	stileid.u32  }
0x93: {  	s1 =	rddreg [dreg:$0x1];
	p0 =	sne.s32 s2, $0x0  }
0x94: {  	s3 =	rddreg [dreg:$0x2];
	[bflag:$0x3] =	sbarrier.arrive $0xFFFF;
	s2 =	simm.s32 @!p0 $0x1C03  }
0x95: {  	[timem:s3], [sflag:s2] =	dma.local @!p0 [hbm:s0], s1  }
0x96: {  	s0 =	simm.s32 @!p0 $0x3  }
0x97: {  	_ =	swait.ge @!p0 [sflag:s0], s1  }
0x98: {  	s1 =	ssub.s32 @!p0 $0x0, s1;
	[sflag:s0] =	ssyncset.done @!p0 $0x0  }
0x99: {  	[sflag:s0] =	ssyncadd.s32 @!p0 s1  }
0x9a: {  	[bflag:$0x3] =	sbarrier.arrive $0xFFFF  }
0x9b: {  	_ =	shalt  }

// kernel: _sc_scatter.7.cloned.1.call-start
scs
__scs_entry_jumppad:
0x0: {  	(pc) =	sbr.rel $0x88, $3  }
0x1: {  	(tag) =	ssettag $0x0;
	lr =	simm.s32 $0x1  }
0x2: {  	[smem:$0x3F9C] =	sst lr;
	_ =	strace $0xD0000000  }
0x3: {  	_ = 	snop  }
0x4: {  	_ = 	snop  }
0x5: {  	_ = 	snop  }
0x6: {  	_ = 	snop  }
0x7: {  	_ = 	snop  }
__scs_overlays_trampoline_lowered:
0x8: {  	[smem:$0x3FAB] =	sst s0  }
0x9: {  	[smem:$0x3FAC] =	sst s1  }
0xa: {  	[smem:$0x3FAD] =	sst s2  }
0xb: {  	[smem:$0x3FAE] =	sst s3  }
0xc: {  	[smem:$0x3FAF] =	sst s4  }
0xd: {  	[smem:$0x3FB0] =	sst s5  }
0xe: {  	[smem:$0x3FB1] =	sst s6  }
0xf: {  	[smem:$0x3FB2] =	sst s7  }
0x10: {  	[smem:$0x3FB3] =	sst s8  }
0x11: {  	[smem:$0x3FB4] =	sst s9;
	s0 =	simm.s32 @!p0 $0x0  }
0x12: {  	s1 =	sld [smem:$0x3F9A];
	s0 =	simm.s32 @p0 $0x1  }
0x13: {  	[smem:$0x3FB5] =	sst s0;
	s0 =	simm.s32 @!p1 $0x0  }
0x14: {  	s2 =	sld [smem:$0x3F99];
	s0 =	simm.s32 @p1 $0x1  }
0x15: {  	[smem:$0x3FB6] =	sst s0;
	s0 =	simm.s32 @!p2 $0x0  }
0x16: {  	s3 =	sld [smem:$0x3FDB];
	s0 =	simm.s32 @p2 $0x1  }
0x17: {  	s4 =	simm.s32 $0x1BF5;
	[smem:$0x3FB8] =	sst s0  }
0x18: {  	s0 =	sld [smem:$0x3F9B];
	_ =	swait.ge [sflag:s4], $0x0  }
0x19: {  	s7 =	sld [smem:$0x3F9C]  }
0x1a: {  	s8 =	sadd.s32 $0xFFFFE003, lr  }
0x1b: {  	s9 =	sadd.s32 $0xFFFFFEF7, lr;
	s5 =	simm.s32 $0xFFFFFFFF;
	p2 =	slt.u32 s8, $0xFFFFF086  }
0x1c: {  	p1 =	slt.u32 s9, $0xF7A;
	s5 =	simm.s32 @!p2 $0x0  }
0x1d: {  	s5 =	simm.s32 @p1 $0x1;
	p0 =	seq.s32 s7, s2  }
0x1e: {  	s7 =	smul.u32 @!p0 $0xF7A, s2;
	p2 =	seq.s32 @!p0 s5, $0x0  }
0x1f: {  	s9 =	smul.u32 $0xF7A, s1;
	s8 =	simm.s32 @!p0 $0x1BF5;
	p2 =	por !p2, p0  }
0x20: {  	[sflag:s8] =	ssyncset.s32 @!p0 $0xFFFFF086;
	s6 =	sadd.s32 @!p0 s3, s7;
	s7 =	simm.s32 @!p0 $0x108  }
0x21: {  	s3 =	sadd.s32 s3, s9;
	s6 =	sadd.s32 @!p0 $0x88, s6;
	s7 =	simm.s32 @p2 $0x1082  }
0x22: {  	[simem:s7], [sflag:s8] =	dma.local @!p0 [hbm:s6], $0xF7A  }
0x23: {  	s9 =	sor.u32 $0xD0000000, s2;
	s6 =	simm.s32 $0x108;
	_ =	swait.ge @!p0 [sflag:s8], $0x0  }
0x24: {  	s3 =	sadd.s32 $0x88, s3;
	s6 =	simm.s32 @!p1 $0x1082;
	[sflag:s4] =	ssyncset.s32 $0xFFFFF086  }
0x25: {  	[simem:s6], [sflag:s4] =	dma.local [hbm:s3], $0xF7A  }
0x26: {  	[smem:$0x3F9C] =	sst s1;
	(tag) =	ssettag s2;
	_ =	strace s9  }
0x27: {  	s1 =	sld [smem:$0x3FAC]  }
0x28: {  	s2 =	sld [smem:$0x3FAD]  }
0x29: {  	s4 =	sld [smem:$0x3FAF]  }
0x2a: {  	p0 =	seq.s32 s5, $0x0;
	s5 =	sld [smem:$0x3FB0]  }
0x2b: {  	s6 =	sld [smem:$0x3FB1]  }
0x2c: {  	s7 =	sld [smem:$0x3FB2]  }
0x2d: {  	s3 =	simm.s32 $0x108;
	s8 =	sld [smem:$0x3FB3]  }
0x2e: {  	s3 =	simm.s32 @!p0 $0x1082;
	s9 =	sld [smem:$0x3FB4]  }
0x2f: {  	lr =	sadd.s32 s0, s3;
	s0 =	sld [smem:$0x3FAB]  }
0x30: {  	s3 =	sld [smem:$0x3FAE]  }
0x31: {  	[smem:$0x3FB7] =	sst s10  }
0x32: {  	s10 =	sld [smem:$0x3FB5];
	_ =	sdelay $0x3  }
0x33: {  	p0 =	seq.s32 s10, $0x1;
	s10 =	sld [smem:$0x3FB7];
	_ =	sdelay $0x3  }
0x34: {  	[smem:$0x3FB7] =	sst s10  }
0x35: {  	s10 =	sld [smem:$0x3FB6];
	_ =	sdelay $0x3  }
0x36: {  	p1 =	seq.s32 s10, $0x1;
	s10 =	sld [smem:$0x3FB7];
	_ =	sdelay $0x3  }
0x37: {  	[smem:$0x3FB7] =	sst s10  }
0x38: {  	s10 =	sld [smem:$0x3FB8]  }
0x39: {  	_ = 	snop;
	(pc) =	sbr.ind lr, $3  }
0x3a: {  	_ = 	snop  }
0x3b: {  	_ = 	snop  }
0x3c: {  	p2 =	seq.s32 s10, $0x1;
	s10 =	sld [smem:$0x3FB7]  }
0x3d: {  	_ =	shalt  }
0x3e: {  	_ =	shalt  }
0x3f: {  	_ =	shalt  }
0x40: {  	_ =	shalt  }
0x41: {  	_ =	shalt  }
0x42: {  	_ =	shalt  }
0x43: {  	_ =	shalt  }
0x44: {  	_ =	shalt  }
0x45: {  	_ =	shalt  }
0x46: {  	_ =	shalt  }
0x47: {  	_ =	shalt  }
0x48: {  	_ =	shalt  }
0x49: {  	_ =	shalt  }
0x4a: {  	_ =	shalt  }
0x4b: {  	_ =	shalt  }
0x4c: {  	_ =	shalt  }
0x4d: {  	_ =	shalt  }
0x4e: {  	_ =	shalt  }
0x4f: {  	_ =	shalt  }
0x50: {  	_ =	shalt  }
0x51: {  	_ =	shalt  }
0x52: {  	_ =	shalt  }
0x53: {  	_ =	shalt  }
0x54: {  	_ =	shalt  }
0x55: {  	_ =	shalt  }
0x56: {  	_ =	shalt  }
0x57: {  	_ =	shalt  }
0x58: {  	_ =	shalt  }
0x59: {  	_ =	shalt  }
0x5a: {  	_ =	shalt  }
0x5b: {  	_ =	shalt  }
0x5c: {  	_ =	shalt  }
0x5d: {  	_ =	shalt  }
0x5e: {  	_ =	shalt  }
0x5f: {  	_ =	shalt  }
0x60: {  	_ =	shalt  }
0x61: {  	_ =	shalt  }
0x62: {  	_ =	shalt  }
0x63: {  	_ =	shalt  }
0x64: {  	_ =	shalt  }
0x65: {  	_ =	shalt  }
0x66: {  	_ =	shalt  }
0x67: {  	_ =	shalt  }
0x68: {  	_ =	shalt  }
0x69: {  	_ =	shalt  }
0x6a: {  	_ =	shalt  }
0x6b: {  	_ =	shalt  }
0x6c: {  	_ =	shalt  }
0x6d: {  	_ =	shalt  }
0x6e: {  	_ =	shalt  }
0x6f: {  	_ =	shalt  }
0x70: {  	_ =	shalt  }
0x71: {  	_ =	shalt  }
0x72: {  	_ =	shalt  }
0x73: {  	_ =	shalt  }
0x74: {  	_ =	shalt  }
0x75: {  	_ =	shalt  }
0x76: {  	_ =	shalt  }
0x77: {  	_ =	shalt  }
0x78: {  	_ =	shalt  }
0x79: {  	_ =	shalt  }
0x7a: {  	_ =	shalt  }
0x7b: {  	_ =	shalt  }
0x7c: {  	_ =	shalt  }
0x7d: {  	_ =	shalt  }
0x7e: {  	_ =	shalt  }
0x7f: {  	_ =	shalt  }
0x80: {  	_ =	shalt  }
0x81: {  	_ =	shalt  }
0x82: {  	_ =	shalt  }
0x83: {  	_ =	shalt  }
0x84: {  	_ =	shalt  }
0x85: {  	_ =	shalt  }
0x86: {  	_ =	shalt  }
0x87: {  	_ =	shalt  }
.Lfunc_end0:
.L_simem_size_0:
called_computation.1_lowered:
.L_overlay_start_0:
0x88: {  	s2 =	sld [smem:$0x3FD9]  }
0x89: {  	s3 =	sld [smem:$0x3FFE];
	_ =	sdelay $0x1  }
0x8a: {  	s1 =	srdreg.scid  }
0x8b: {  	s0 =	sand.u32 $0x1, s1  }
0x8c: {  	s15 =	sshll.u32 s0, $0xA;
	s2 =	sadd.s32 s3, s2  }
0x8d: {  	s2 =	sadd.s32 s2, s15  }
0x8e: {  	[smem:$0x3FC3] =	sst s2  }
0x8f: {  	_ = 	snop  }
0x90: {  	s2 =	sld [smem:$0x3FD0];
	_ =	sdelay $0x1  }
0x91: {  	s16 =	sld [smem:$0x3FC6]  }
0x92: {  	s5 =	simm.s32 $0xA;
	s6 =	simm.s32 $0x10;
	s4 =	sld [smem:$0x3FC5]  }
0x93: {  	[smem:s6], [sflag:s5] =	dma.local [hbm:s2], $0x1  }
0x94: {  	_ =	swait.eq [sflag:s5], $0x1  }
0x95: {  	[sflag:s5] =	ssyncset.done $0x0  }
0x96: {  	[sflag:s5] =	ssyncadd.s32 $0xFFFFFFFF  }
0x97: {  	s17 =	sld [smem:$0x11];
	(tm) =	ssettm $0x1  }
0x98: {  	s18 =	sld [smem:$0x3FFB];
	_ =	sdelay $0x3  }
0x99: {  	_ =	strace s18  }
0x9a: {  	s5 =	sld [smem:$0x3FFC];
	_ =	sdelay $0x3  }
0x9b: {  	_ =	strace s5  }
0x9c: {  	s5 =	sld [smem:$0x3FFD];
	_ =	sdelay $0x3  }
0x9d: {  	_ =	strace s5  }
0x9e: {  	_ =	strace $0x8FFFFFFF  }
0x9f: {  	s19 =	sld [smem:$0x3FDB];
	_ =	sdelay $0x1  }
0xa0: {  	s20 =	simm.s32 $_scs_section_size  }
0xa1: {  	s7 =	simm.s32 $_size__tile_overlayer_lowered;
	s8 =	simm.s32 $_tile_overlayer_lowered  }
0xa2: {  	s23 =	simm.s32 $0x1BFF;
	s22 =	sshll.u32 s8, $0x1;
	s5 =	sadd.s32 s20, s19  }
0xa3: {  	s9 =	simm.s32 $0x0;
	s21 =	sshll.u32 s7, $0x1;
	s7 =	sadd.s32 s22, s5  }
0xa4: {  	[timem:s9], [sflag:s23] =	dma.local [hbm:s7], s21  }
0xa5: {  	_ =	swait.ge [sflag:s23], s21  }
0xa6: {  	s6 =	ssub.s32 $0x0, s21;
	[sflag:s23] =	ssyncset.done $0x0  }
0xa7: {  	[sflag:s23] =	ssyncadd.s32 s6;
	_ =	sdelay $0x1  }
0xa8: {  	s24 =	simm.s32 $0x1B8B  }
0xa9: {  	_ =	swait.ge [sflag:s24], $0x1  }
0xaa: {  	[sflag:s24] =	ssyncset.done $0x0  }
0xab: {  	s25 =	simm.s32 $0x1B8E;
	[sflag:s24] =	ssyncadd.s32 $0xFFFFFFFF  }
0xac: {  	s26 =	simm.s32 $execute0_lowered;
	[smem:$0x3FD2] =	sst s25  }
0xad: {  	s6 =	sshll.u32 s26, $0x1;
	_ =	strace $0x80000049;
	[dreg:$0x1] =	wrdreg $0xFFFFFFFF  }
0xae: {  	s28 =	simm.s32 $_size_execute0_lowered;
	s5 =	sadd.s32 s5, s6;
	[dreg:$0x0] =	wrdreg $0x0  }
0xaf: {  	s6 =	sshll.u32 s28, $0x1;
	[dreg:$0x2] =	wrdreg s5  }
0xb0: {  	[dreg:$0x3] =	wrdreg s6  }
0xb1: {  	[dreg:$0x4] =	wrdreg $0xC0  }
0xb2: {  	_ =	task [dreg:s9], $0x5FFFF  }
0xb3: {  	[dreg:$0x1] =	wrdreg $0xFFFFFFFF  }
0xb4: {  	[dreg:$0x0] =	wrdreg $0x60  }
0xb5: {  	[dreg:$0x2] =	wrdreg s16  }
0xb6: {  	[dreg:$0x3] =	wrdreg s4  }
0xb7: {  	[dreg:$0x4] =	wrdreg s17  }
0xb8: {  	[dreg:$0x5] =	wrdreg $0x58800  }
0xb9: {  	[dreg:$0x6] =	wrdreg $0x9  }
0xba: {  	_ =	task.clear_ibuf [dreg:s9], $0x7FFFF;
	_ =	strace $0x90000049  }
0xbb: {  	s29 =	simm.s32 $0x9;
	_ =	strace $0x8000004B  }
0xbc: {  	_ =	swait.ge [sflag:s29], $0x1  }
0xbd: {  	[sflag:s29] =	ssyncadd.s32 $0xFFFFFFFF  }
0xbe: {  	_ =	strace $0x9000004B  }
0xbf: {  	_ =	sfence  }
0xc0: {  	s30 =	sld [smem:$0x0];
	_ =	sdelay $0x2  }
0xc1: {  	s31 =	sshll.u32 s1, $0xD;
	s1 =	sshrl.u32 s1, $0x2  }
0xc2: {  	s3 =	sand.u32 $0x4000, s31;
	s1 =	sadd.s32 s1, s30  }
0xc3: {  	s0 =	sor.u32 s3, s0;
	s1 =	sshll.u32 s1, $0x11  }
0xc4: {  	s0 =	sor.u32 s1, s0  }
0xc5: {  	s0 =	sadd.s32 $0x8F2B, s0  }
0xc6: {  	[sflag:s0] =	ssyncadd.remote.s32 $0x1  }
0xc7: {  	_ =	sfence.sel $0xFFFF  }
0xc8: {  	[dreg:$0x0] =	wrdreg $0xFFFFFFFF;
	(pc) =	sbr.abs _section_cstart, $3  }
0xc9: {  	[dreg:$0x1] =	wrdreg $0xFFFFFFFF  }
0xca: {  	_ =	task.clear_ibuf [dreg:s9], $0x2FFFF;
	_ =	strace $0x9FFFFFFF  }
0xcb: {  	(tm) =	ssettm $0x7FFFFFFF  }
tec
execute0_lowered:
.L_overlay_start_1:
0x0: {  	(tag) =	ssettag $0x1  }
0x1: {  	s8 =	rddreg [dreg:$0x0]  }
0x2: {  	s9 =	rddreg [dreg:$0x1]  }
0x3: {  	s15 =	rddreg [dreg:$0x2];
	s1 =	srdreg.scid  }
0x4: {  	s0 =	stileid.u32;
	s2 =	rddreg [dreg:$0x3];
	s20 =	simm.s32 $0x50  }
0x5: {  	s19 =	simm.s32 $0x2800;
	s21 =	simm.s32 $0x80;
	s22 =	simm.s32 $0x5000  }
0x6: {  	s23 =	simm.s32 $0x20;
	s24 =	simm.s32 $0x10;
	s25 =	simm.s32 $0x0  }
0x7: {  	s11 =	sand.u32 $0x1, s1;
	s3 =	sshll.u32 s0, $0x1;
	s31 =	smul.u32 $0xA000, s0  }
0x8: {  	s1 =	rddreg [dreg:$0x4];
	p0 =	slt.u32 s0, $0xC;
	s12 =	smul.u32 $0x5000, s0  }
0x9: {  	s18 =	sor.u32 s11, s3;
	s3 =	simm.s32 $0x0;
	s6 =	ssub.s32 $0x2, s11  }
0xa: {  	s13 =	sshll.u32 s11, $0x7;
	s20 =	simm.s32 @!p0 $0x48;
	p0 =	sgt.u32 s0, $0xB  }
0xb: {  	s4 =	smin.u32 s18, $0x18;
	s5 =	smul.u32 $0x480, s18;
	[smem:$0x7FF] =	sst s3  }
0xc: {  	s7 =	sshrl.u32 s6, $0x1;
	s14 =	sor.u32 s13, s12;
	p1 =	sne.s32 s18, $0x1F  }
0xd: {  	s18 =	simm.s32 $0x1;
	s4 =	sshll.u32 s4, $0x7;
	_ =	strace $0x8000004A  }
0xe: {  	s16 =	ssub.s32 s6, s7;
	s17 =	sshrl.u32 s14, $0x3;
	s10 =	sadd.s32 s5, s4  }
0xf: {  	s15 =	sadd.s32 s15, s17;
	s16 =	smax.u32 s16, $0x1;
	s17 =	sor.u32 $0x4, s20  }
0x10: {  	s4 =	sadd.s32 s8, s10;
	s5 =	sadd.s32 s9, s10;
	s30 =	sadd.s32 $0x480, s10  }
0x11: {  	s10 =	sshrl.u32 s31, $0x2;
	s17 =	smov.u32 @p1 s20;
	s20 =	simm.s32 $0x5080  }
0x12: {  	s6 =	sadd.s32 s8, s30;
	s7 =	sadd.s32 s9, s30;
	s10 =	sadd.s32 s10, s2  }
0x13: {  	s8 =	sadd.s32 $0x9C00, s8;
	s9 =	sadd.s32 $0x9C00, s9;
	s11 =	sadd.s32 $0x800, s10  }
0x14: {  	v0 =	vimm.f32 $1.000000000e+00;
	v1 =	vimm.f32 $0.0e+00;
	s12 =	sadd.s32 $0x1000, s10;
	s13 =	sadd.s32 $0x1800, s10;
	s14 =	sadd.s32 $0x2000, s10  }
.LBB2_1:
0x15: {  	[tilespmem:s3], [sflag:$0x1] =	stream.linear.gather [hbm4b:s4+s3], $0x2400, $0x38;
	[tilespmem:$0x8080] =	vst v63  }
0x16: {  	_ =	swait.ge [sflag:s18], $0x2400  }
0x17: {  	[sflag:s18] =	ssyncset.done $0x0  }
0x18: {  	[sflag:s18] =	ssyncadd.s32 $0xFFFFDC00  }
0x19: {  	[tilespmem:s19], [sflag:$0x1] =	stream.linear.gather [hbm4b:s5+s3], $0x2400, $0x38;
	[tilespmem:$0x8080] =	vst v63  }
0x1a: {  	_ =	swait.ge [sflag:s18], $0x2400  }
0x1b: {  	[sflag:s18] =	ssyncset.done $0x0  }
0x1c: {  	s26 =	simm.s32 @!p0 $0x0;
	s28 =	simm.s32 @!p0 $0x2400;
	[sflag:s18] =	ssyncadd.s32 $0xFFFFDC00  }
0x1d: {  	[tilespmem:s28], [sflag:$0x1] =	stream.linear.gather @!p0 [hbm4b:s6+s26], $0x400, $0x38;
	[tilespmem:$0x8080] =	vst v63  }
0x1e: {  	s28 =	simm.s32 @!p0 $0x1  }
0x1f: {  	_ =	swait.ge @!p0 [sflag:s28], $0x400  }
0x20: {  	[sflag:s28] =	ssyncset.done @!p0 $0x0  }
0x21: {  	s29 =	simm.s32 @!p0 $0x4C00;
	[sflag:s28] =	ssyncadd.s32 @!p0 $0xFFFFFC00  }
0x22: {  	[tilespmem:s29], [sflag:$0x1] =	stream.linear.gather @!p0 [hbm4b:s7+s26], $0x400, $0x38;
	[tilespmem:$0x8080] =	vst v63  }
0x23: {  	_ =	swait.ge @!p0 [sflag:s28], $0x400  }
0x24: {  	[sflag:s28] =	ssyncset.done @!p0 $0x0  }
0x25: {  	s26 =	simm.s32 @!p1 $0x0;
	[sflag:s28] =	ssyncadd.s32 @!p0 $0xFFFFFC00;
	s28 =	simm.s32 @!p1 $0x2400  }
0x26: {  	[tilespmem:s28], [sflag:$0x1] =	stream.linear.gather @!p1 [hbm4b:s8+s26], $0x200, $0x38;
	[tilespmem:$0x8080] =	vst v63  }
0x27: {  	s28 =	simm.s32 @!p1 $0x1  }
0x28: {  	_ =	swait.ge @!p1 [sflag:s28], $0x200  }
0x29: {  	[sflag:s28] =	ssyncset.done @!p1 $0x0  }
0x2a: {  	s29 =	simm.s32 @!p1 $0x4C00;
	[sflag:s28] =	ssyncadd.s32 @!p1 $0xFFFFFE00  }
0x2b: {  	[tilespmem:s29], [sflag:$0x1] =	stream.linear.gather @!p1 [hbm4b:s9+s26], $0x200, $0x38;
	[tilespmem:$0x8080] =	vst v63  }
0x2c: {  	_ =	swait.ge @!p1 [sflag:s28], $0x200  }
0x2d: {  	[sflag:s28] =	ssyncset.done @!p1 $0x0  }
0x2e: {  	[sflag:s28] =	ssyncadd.s32 @!p1 $0xFFFFFE00  }
0x2f: {  	[tilespmem:$0x5000] =	vst v0  }
0x30: {  	[tilespmem:$0x5010] =	vst v0  }
0x31: {  	[tilespmem:$0x5020] =	vst v0  }
0x32: {  	[tilespmem:$0x5030] =	vst v0  }
0x33: {  	[tilespmem:$0x5040] =	vst v0  }
0x34: {  	[tilespmem:$0x5050] =	vst v0  }
0x35: {  	[tilespmem:$0x5060] =	vst v0  }
0x36: {  	s26 =	simm.s32 $0x40;
	s28 =	simm.s32 $0x0;
	[tilespmem:$0x5070] =	vst v0  }
.LBB2_2:
0x37: {  	p2 =	sne.s32 s26, $0x1FC0;
	[tilespmem:s28+$0x5080] =	vst v1;
	s28 =	smov.u32 s26;
	s26 =	sadd.s32 $0x40, s26  }
.Ltmp0:
0x38: {  	(pc) =	sbr.rel @p2 .LBB2_2-.Ltmp0, $2  }
0x39: {  	_ =	sdelay $0x2  }
0x3a: {  	s28 =	sshra.s32 s28, $0x2  }
0x3b: {  	[tilespmem:s28+$0x5080] =	vst v1  }
0x3c: {  	[spmem:s10] =	stream.linear.scatter [tilespmem:s20], [sflag:$0x1], $0x800, $0x38;
	[tilespmem:$0x8080] =	vst v63  }
0x3d: {  	_ =	swait.ge [sflag:s18], $0x800  }
0x3e: {  	[sflag:s18] =	ssyncset.done $0x0  }
0x3f: {  	[sflag:s18] =	ssyncadd.s32 $0xFFFFF800  }
0x40: {  	[spmem:s11] =	stream.linear.scatter [tilespmem:s20], [sflag:$0x1], $0x800, $0x38;
	[tilespmem:$0x8080] =	vst v63  }
0x41: {  	_ =	swait.ge [sflag:s18], $0x800  }
0x42: {  	[sflag:s18] =	ssyncset.done $0x0  }
0x43: {  	[sflag:s18] =	ssyncadd.s32 $0xFFFFF800  }
0x44: {  	[spmem:s12] =	stream.linear.scatter [tilespmem:s20], [sflag:$0x1], $0x800, $0x38;
	[tilespmem:$0x8080] =	vst v63  }
0x45: {  	_ =	swait.ge [sflag:s18], $0x800  }
0x46: {  	[sflag:s18] =	ssyncset.done $0x0  }
0x47: {  	[sflag:s18] =	ssyncadd.s32 $0xFFFFF800  }
0x48: {  	[spmem:s13] =	stream.linear.scatter [tilespmem:s20], [sflag:$0x1], $0x800, $0x38;
	[tilespmem:$0x8080] =	vst v63  }
0x49: {  	_ =	swait.ge [sflag:s18], $0x800  }
0x4a: {  	[sflag:s18] =	ssyncset.done $0x0  }
0x4b: {  	[sflag:s18] =	ssyncadd.s32 $0xFFFFF800  }
0x4c: {  	[spmem:s14] =	stream.linear.scatter [tilespmem:s20], [sflag:$0x1], $0x800, $0x38;
	[tilespmem:$0x8080] =	vst v63  }
0x4d: {  	_ =	swait.ge [sflag:s18], $0x800  }
0x4e: {  	[sflag:s18] =	ssyncset.done $0x0  }
0x4f: {  	[sflag:s18] =	ssyncadd.s32 $0xFFFFF800  }
0x50: {  	s26 =	simm.s32 $0x0;
	[bflag:$0x0] =	sbarrier.arrive $0xFFFF  }
0x51: {  	[spmem:s2] =	stream.indirect.scatter.add.f32 [tilespmem:s22], [sflag:$0x1], $0x1, s26, s21, $0xb8;
	[tilespmem:$0x8080] =	vst v63  }
0x52: {  	p2 =	sne.s32 s17, $0x1;
	_ =	swait.ge [sflag:s18], $0x80  }
.Ltmp1:
0x53: {  	[sflag:s18] =	ssyncset.done $0x0;
	(pc) =	sbr.rel @!p2 .LBB2_5-.Ltmp1, $4  }
0x54: {  	s28 =	simm.s32 $0x2800;
	[sflag:s18] =	ssyncadd.s32 $0xFFFFFF80  }
0x55: {  	[spmem:s2] =	stream.indirect.scatter.add.f32 [tilespmem:s22], [sflag:$0x1], $0x1, s28, s21, $0xb8;
	[tilespmem:$0x8080] =	vst v63  }
0x56: {  	_ =	swait.ge [sflag:s18], $0x80  }
0x57: {  	s29 =	sadd.s32 $0xFFFFFFFF, s17;
	[sflag:s18] =	ssyncset.done $0x0  }
.LBB2_4:
0x58: {  	[sflag:s18] =	ssyncadd.s32 $0xFFFFFF80;
	s26 =	sadd.s32 $0x80, s26;
	s28 =	sadd.s32 $0x80, s28  }
0x59: {  	[spmem:s2] =	stream.indirect.scatter.add.f32 [tilespmem:s22], [sflag:$0x1], $0x1, s26, s21, $0xb8;
	[tilespmem:$0x8080] =	vst v63  }
0x5a: {  	p2 =	sne.s32 s29, $0x1;
	s29 =	sadd.s32 $0xFFFFFFFF, s29;
	_ =	swait.ge [sflag:s18], $0x80  }
.Ltmp2:
0x5b: {  	[sflag:s18] =	ssyncset.done $0x0;
	(pc) =	sbr.rel @p2 .LBB2_4-.Ltmp2, $4  }
0x5c: {  	[sflag:s18] =	ssyncadd.s32 $0xFFFFFF80  }
0x5d: {  	[spmem:s2] =	stream.indirect.scatter.add.f32 [tilespmem:s22], [sflag:$0x1], $0x1, s28, s21, $0xb8;
	[tilespmem:$0x8080] =	vst v63  }
0x5e: {  	_ =	swait.ge [sflag:s18], $0x80  }
0x5f: {  	[sflag:s18] =	ssyncset.done $0x0  }
.LBB2_5:
0x60: {  	[sflag:s18] =	ssyncadd.s32 $0xFFFFFF80;
	s25 =	sadd.s32 $0x1, s25  }
0x61: {  	s26 =	sshll.u32 s0, $0x6;
	s28 =	sshrl.u32 s10, $0x3;
	p2 =	sne.s32 s25, s16  }
.Ltmp3:
0x62: {  	[bflag:$0x0] =	sbarrier.arrive $0xFFFF;
	s26 =	sor.u32 $0x1C01, s26;
	(pc) =	sbr.rel @p2 .LBB2_1-.Ltmp3, $4  }
0x63: {  	[hbm:s15@s23], [sflag:s26] =	dma.strided [spmem:s28@s24], $0x500, s18, $0x10   }
0x64: {  	_ =	swait.ge [sflag:s18], $0x500  }
0x65: {  	[sflag:s18] =	ssyncset.done $0x0  }
0x66: {  	[sflag:s18] =	ssyncadd.s32 $0xFFFFFB00  }
0x67: {  	_ =	sfence.sel $0x180000  }
0x68: {  	[bflag:$0x0] =	sbarrier.arrive $0xFFFF  }
0x69: {  	p0 =	sne.s32 s0, $0x0;
	_ =	strace $0x9000004A  }
0x6a: {  	s0 =	sadd.s32 @!p0 $0x100000, s1;
	[bflag:$0x2] =	sbarrier.arrive $0xFFFF  }
0x6b: {  	[sflag:s0] =	ssyncadd.tile.s32 @!p0 $0x1;
	_ =	shalt  }
.Lfunc_end2:
_tile_overlayer_lowered:
.L_overlay_start_2:
0x6c: {  	(tag) =	ssettag $0x2  }
0x6d: {  	s0 =	rddreg [dreg:$0x0];
	s2 =	stileid.u32  }
0x6e: {  	s1 =	rddreg [dreg:$0x1];
	p0 =	sne.s32 s2, $0x0  }
0x6f: {  	s3 =	rddreg [dreg:$0x2];
	[bflag:$0x3] =	sbarrier.arrive $0xFFFF;
	s2 =	simm.s32 @!p0 $0x1C01  }
0x70: {  	[timem:s3], [sflag:s2] =	dma.local @!p0 [hbm:s0], s1  }
0x71: {  	s0 =	simm.s32 @!p0 $0x1  }
0x72: {  	_ =	swait.ge @!p0 [sflag:s0], s1  }
0x73: {  	s1 =	ssub.s32 @!p0 $0x0, s1;
	[sflag:s0] =	ssyncset.done @!p0 $0x0  }
0x74: {  	[sflag:s0] =	ssyncadd.s32 @!p0 s1  }
0x75: {  	[bflag:$0x3] =	sbarrier.arrive $0xFFFF  }
0x76: {  	_ =	shalt  }

</sc_bundles>
